<compile_context>
chip_gen: v7x
topology: tpu7x:2x2x1
jax: 0.10.2.dev20260603
libtpu: 0.0.44.dev20260713+nightly
codegen_flags: <defaults>
</compile_context>

<pallas_src>
import functools

import jax
import jax.numpy as jnp
from jax import lax
from jax.experimental import pallas as pl
from jax.experimental.pallas import tpu as pltpu
from jax.experimental.pallas import tpu_sc as plsc

B_, N_, C_ = 4, 8192, 64
S_, K_ = 1024, 24
D2_ = 2 * C_
NSC, NSUB = 2, 16
NW = NSC * NSUB
NROWS = B_ * S_ * K_
NALL = NROWS + B_ * S_
CNT = float(B_ * S_ * K_)
NSTD = S_ * K_ * C_



def _fps_body(xyz_ref, nx_ref, ny_ref, nz_ref, gidx_ref, dist_ref):
    X = xyz_ref[:, 0]
    Y = xyz_ref[:, 1]
    Z = xyz_ref[:, 2]
    io_s = lax.broadcasted_iota(jnp.int32, (1, 64, 128), 1)
    io_l = lax.broadcasted_iota(jnp.int32, (1, 64, 128), 2)
    pos = io_s * 128 + io_l
    io_p = lax.broadcasted_iota(jnp.int32, (4, 1024), 1)
    boff = lax.broadcasted_iota(jnp.int32, (4, 1), 0) * N_

    dist_ref[...] = jnp.full((4, 64, 128), 1e10, dtype=jnp.float32)

    def step(s, far):
        fs = far // 128
        fl = far % 128
        oh = (io_s == fs) & (io_l == fl)
        cx = jnp.sum(jnp.where(oh, X, 0.0), axis=(1, 2), keepdims=True)
        cy = jnp.sum(jnp.where(oh, Y, 0.0), axis=(1, 2), keepdims=True)
        cz = jnp.sum(jnp.where(oh, Z, 0.0), axis=(1, 2), keepdims=True)
        sel = io_p == s
        nx_ref[...] = jnp.where(sel, cx[:, :, 0], nx_ref[...])
        ny_ref[...] = jnp.where(sel, cy[:, :, 0], ny_ref[...])
        nz_ref[...] = jnp.where(sel, cz[:, :, 0], nz_ref[...])
        gidx_ref[...] = jnp.where(sel, far[:, :, 0] + boff, gidx_ref[...])
        dx = X - cx
        dy = Y - cy
        dz = Z - cz
        d = (dx * dx + dy * dy) + dz * dz
        dist = jnp.minimum(dist_ref[...], d)
        dist_ref[...] = dist
        m = jnp.max(dist, axis=(1, 2), keepdims=True)
        cand = jnp.where(dist == m, pos, jnp.int32(2 ** 30))
        return jnp.min(cand, axis=(1, 2), keepdims=True)

    lax.fori_loop(0, S_, step, jnp.zeros((4, 1, 1), jnp.int32))


def _run_fps(xyz_v):
    f32 = jnp.float32
    return pl.pallas_call(
        _fps_body,
        out_shape=(
            jax.ShapeDtypeStruct((4, 1024), f32),
            jax.ShapeDtypeStruct((4, 1024), f32),
            jax.ShapeDtypeStruct((4, 1024), f32),
            jax.ShapeDtypeStruct((4, 1024), jnp.int32),
        ),
        scratch_shapes=[pltpu.VMEM((4, 64, 128), f32)],
    )(xyz_v)



SQ = 128


def _knn_body(q_ref, xyz_ref, idx_ref):
    b = pl.program_id(0)
    q = q_ref[0]
    qx = q[:, 0:1]
    qy = q[:, 1:2]
    qz = q[:, 2:3]
    px = xyz_ref[0, 0:1, :]
    py = xyz_ref[0, 1:2, :]
    pz = xyz_ref[0, 2:3, :]
    qn = (qx * qx + qy * qy) + qz * qz
    pn = (px * px + py * py) + pz * pz
    bf = jnp.bfloat16
    f32 = jnp.float32
    qxb = qx.astype(bf).astype(f32)
    qyb = qy.astype(bf).astype(f32)
    qzb = qz.astype(bf).astype(f32)
    pxb = px.astype(bf).astype(f32)
    pyb = py.astype(bf).astype(f32)
    pzb = pz.astype(bf).astype(f32)
    qp = (qxb * pxb + qyb * pyb) + qzb * pzb
    d = (qn + pn) - 2.0 * qp
    li = lax.broadcasted_iota(jnp.int32, (SQ, N_), 1)
    boff = b * N_
    for j in range(K_):
        m = jnp.min(d, axis=1, keepdims=True)
        cand = jnp.where(d == m, li, jnp.int32(2 ** 30))
        a = jnp.min(cand, axis=1, keepdims=True)
        idx_ref[0, :, j:j + 1] = a + boff
        d = jnp.where(li == a, jnp.float32(3e38), d)


def _run_knn(new_xyz, xyz_t):
    nst = S_ // SQ
    return pl.pallas_call(
        _knn_body,
        grid=(B_, nst),
        in_specs=[
            pl.BlockSpec((1, SQ, 3), lambda b, st: (b, st, 0)),
            pl.BlockSpec((1, 3, N_), lambda b, st: (b, 0, 0)),
        ],
        out_specs=pl.BlockSpec((1, SQ, K_), lambda b, st: (b, st, 0)),
        out_shape=jax.ShapeDtypeStruct((B_, S_, K_), jnp.int32),
    )(new_xyz, xyz_t)



RPW = NALL // NW
CH = 800


def _sc_gather_body(table_hbm, idx_hbm, out_hbm, idx_v, rows_v, sem):
    wid = lax.axis_index("s") * NSC + lax.axis_index("c")
    base = wid * RPW
    for c in range(RPW // CH):
        off = base + c * CH
        pltpu.sync_copy(idx_hbm.at[pl.ds(off, CH)], idx_v)
        pltpu.async_copy(table_hbm.at[idx_v], rows_v, sem).wait()
        pltpu.sync_copy(rows_v, out_hbm.at[pl.ds(off, CH)])


def _run_sc_gather(table, idx_all):
    mesh = plsc.VectorSubcoreMesh(
        core_axis_name="c", subcore_axis_name="s",
        num_cores=NSC, num_subcores=NSUB)
    k = functools.partial(
        pl.kernel,
        out_type=jax.ShapeDtypeStruct((NALL, D2_), jnp.float32),
        mesh=mesh,
        scratch_types=[
            pltpu.VMEM((CH,), jnp.int32),
            pltpu.VMEM((CH, D2_), jnp.float32),
            pltpu.SemaphoreType.DMA,
        ],
    )(_sc_gather_body)
    return k(table, idx_all)



def _p2_body(g_ref, o_ref):
    st = pl.program_id(1)

    @pl.when(st == 0)
    def _():
        o_ref[...] = jnp.zeros_like(o_ref)

    g = g_ref[0]
    mean = jnp.mean(g, axis=1, keepdims=True)
    c = g - mean
    o_ref[...] = o_ref[...] + jnp.sum(c * c)


def _run_p2(grouped4):
    return pl.pallas_call(
        _p2_body,
        grid=(B_, 8),
        in_specs=[pl.BlockSpec((1, 128, K_, C_), lambda b, st: (b, st, 0, 0))],
        out_specs=pl.BlockSpec((1, 8, 128), lambda b, st: (b, 0, 0)),
        out_shape=jax.ShapeDtypeStruct((B_, 8, 128), jnp.float32),
    )(grouped4)



SCH = 128


def _p3_body(g_ref, np_ref, sdiv_ref, al_ref, be_ref, w1a_ref, w1b_ref,
             b1_ref, h1_ref, s1_ref, s2_ref):
    b = pl.program_id(0)
    sc = pl.program_id(1)

    @pl.when((b == 0) & (sc == 0))
    def _():
        s1_ref[...] = jnp.zeros_like(s1_ref)
        s2_ref[...] = jnp.zeros_like(s2_ref)

    g = g_ref[0]
    mean = jnp.mean(g, axis=1, keepdims=True)
    c = g - mean
    s = sdiv_ref[b]
    al = al_ref[...].reshape(1, 1, C_)
    be = be_ref[...].reshape(1, 1, C_)
    xg = al * (c / s) + be
    x1 = xg.reshape(SCH * K_, C_)
    x2 = jnp.broadcast_to(np_ref[0][:, None, :], (SCH, K_, C_)).reshape(
        SCH * K_, C_)
    h1 = (jnp.dot(x1, w1a_ref[...], preferred_element_type=jnp.float32)
          + jnp.dot(x2, w1b_ref[...], preferred_element_type=jnp.float32)
          ) + b1_ref[...]
    h1_ref[...] = h1
    s1_ref[...] = s1_ref[...] + jnp.sum(h1, axis=0, keepdims=True)
    s2_ref[...] = s2_ref[...] + jnp.sum(h1 * h1, axis=0, keepdims=True)


def _run_p3(grouped4, npnts, sdiv_t, al_t, be_t, w1a, w1b, b1_t):
    f32 = jnp.float32
    return pl.pallas_call(
        _p3_body,
        grid=(B_, S_ // SCH),
        in_specs=[
            pl.BlockSpec((1, SCH, K_, C_), lambda b, sc: (b, sc, 0, 0)),
            pl.BlockSpec((1, SCH, C_), lambda b, sc: (b, sc, 0)),
            pl.BlockSpec(memory_space=pltpu.SMEM),
            pl.BlockSpec((1, C_), lambda b, sc: (0, 0)),
            pl.BlockSpec((1, C_), lambda b, sc: (0, 0)),
            pl.BlockSpec((C_, D2_), lambda b, sc: (0, 0)),
            pl.BlockSpec((C_, D2_), lambda b, sc: (0, 0)),
            pl.BlockSpec((1, D2_), lambda b, sc: (0, 0)),
        ],
        out_specs=(
            pl.BlockSpec((SCH * K_, D2_),
                         lambda b, sc: (b * (S_ // SCH) + sc, 0)),
            pl.BlockSpec((1, D2_), lambda b, sc: (0, 0)),
            pl.BlockSpec((1, D2_), lambda b, sc: (0, 0)),
        ),
        out_shape=(
            jax.ShapeDtypeStruct((NROWS, D2_), f32),
            jax.ShapeDtypeStruct((1, D2_), f32),
            jax.ShapeDtypeStruct((1, D2_), f32),
        ),
    )(grouped4, npnts, sdiv_t, al_t, be_t, w1a, w1b, b1_t)



def _p4_body(h1_ref, a1_ref, c1_ref, w2a_ref, w2b_ref, b2a_ref, b2b_ref,
             h2a_ref, h2b_ref, t1a_ref, t1b_ref, t2a_ref, t2b_ref):
    i = pl.program_id(0)

    @pl.when(i == 0)
    def _():
        t1a_ref[...] = jnp.zeros_like(t1a_ref)
        t1b_ref[...] = jnp.zeros_like(t1b_ref)
        t2a_ref[...] = jnp.zeros_like(t2a_ref)
        t2b_ref[...] = jnp.zeros_like(t2b_ref)

    h1 = h1_ref[...]
    hn = a1_ref[...] * h1 + c1_ref[...]
    l = jnp.where(hn >= 0, hn, 0.01 * hn)
    h2a = jnp.dot(l, w2a_ref[...], preferred_element_type=jnp.float32) \
        + b2a_ref[...]
    h2b = jnp.dot(l, w2b_ref[...], preferred_element_type=jnp.float32) \
        + b2b_ref[...]
    h2a_ref[...] = h2a
    h2b_ref[...] = h2b
    t1a_ref[...] = t1a_ref[...] + jnp.sum(h2a, axis=0, keepdims=True)
    t1b_ref[...] = t1b_ref[...] + jnp.sum(h2b, axis=0, keepdims=True)
    t2a_ref[...] = t2a_ref[...] + jnp.sum(h2a * h2a, axis=0, keepdims=True)
    t2b_ref[...] = t2b_ref[...] + jnp.sum(h2b * h2b, axis=0, keepdims=True)


def _run_p4(h1, a1_t, c1_t, w2a, w2b, b2a_t, b2b_t):
    f32 = jnp.float32
    nt = NROWS // (SCH * K_)
    return pl.pallas_call(
        _p4_body,
        grid=(nt,),
        in_specs=[
            pl.BlockSpec((SCH * K_, D2_), lambda i: (i, 0)),
            pl.BlockSpec((1, D2_), lambda i: (0, 0)),
            pl.BlockSpec((1, D2_), lambda i: (0, 0)),
            pl.BlockSpec((D2_, C_), lambda i: (0, 0)),
            pl.BlockSpec((D2_, C_), lambda i: (0, 0)),
            pl.BlockSpec((1, C_), lambda i: (0, 0)),
            pl.BlockSpec((1, C_), lambda i: (0, 0)),
        ],
        out_specs=(
            pl.BlockSpec((SCH * K_, C_), lambda i: (i, 0)),
            pl.BlockSpec((SCH * K_, C_), lambda i: (i, 0)),
            pl.BlockSpec((1, C_), lambda i: (0, 0)),
            pl.BlockSpec((1, C_), lambda i: (0, 0)),
            pl.BlockSpec((1, C_), lambda i: (0, 0)),
            pl.BlockSpec((1, C_), lambda i: (0, 0)),
        ),
        out_shape=(
            jax.ShapeDtypeStruct((NROWS, C_), f32),
            jax.ShapeDtypeStruct((NROWS, C_), f32),
            jax.ShapeDtypeStruct((1, C_), f32),
            jax.ShapeDtypeStruct((1, C_), f32),
            jax.ShapeDtypeStruct((1, C_), f32),
            jax.ShapeDtypeStruct((1, C_), f32),
        ),
    )(h1, a1_t, c1_t, w2a, w2b, b2a_t, b2b_t)



def _p5_body(h2a_ref, h2b_ref, a2a_ref, c2a_ref, a2b_ref, c2b_ref,
             g_ref, np_ref, sdiv_ref, al_ref, be_ref, o1_ref, o2_ref):
    b = pl.program_id(0)
    g = g_ref[0]
    mean = jnp.mean(g, axis=1, keepdims=True)
    c = g - mean
    s = sdiv_ref[b]
    al = al_ref[...].reshape(1, 1, C_)
    be = be_ref[...].reshape(1, 1, C_)
    xg = al * (c / s) + be
    x1 = xg.reshape(SCH * K_, C_)
    x2 = jnp.broadcast_to(np_ref[0][:, None, :], (SCH, K_, C_)).reshape(
        SCH * K_, C_)
    ra = a2a_ref[...] * h2a_ref[...] + c2a_ref[...] + x1
    rb = a2b_ref[...] * h2b_ref[...] + c2b_ref[...] + x2
    la = jnp.where(ra >= 0, ra, 0.01 * ra).reshape(SCH, K_, C_)
    lb = jnp.where(rb >= 0, rb, 0.01 * rb).reshape(SCH, K_, C_)
    o1_ref[0] = jnp.max(la, axis=1)
    o2_ref[0] = jnp.max(lb, axis=1)


def _run_p5(h2a, h2b, a2a_t, c2a_t, a2b_t, c2b_t, grouped4, npnts, sdiv_t,
            al_t, be_t):
    f32 = jnp.float32
    nsc = S_ // SCH
    small = lambda b, sc: (0, 0)
    return pl.pallas_call(
        _p5_body,
        grid=(B_, nsc),
        in_specs=[
            pl.BlockSpec((SCH * K_, C_), lambda b, sc: (b * nsc + sc, 0)),
            pl.BlockSpec((SCH * K_, C_), lambda b, sc: (b * nsc + sc, 0)),
            pl.BlockSpec((1, C_), small),
            pl.BlockSpec((1, C_), small),
            pl.BlockSpec((1, C_), small),
            pl.BlockSpec((1, C_), small),
            pl.BlockSpec((1, SCH, K_, C_), lambda b, sc: (b, sc, 0, 0)),
            pl.BlockSpec((1, SCH, C_), lambda b, sc: (b, sc, 0)),
            pl.BlockSpec(memory_space=pltpu.SMEM),
            pl.BlockSpec((1, C_), small),
            pl.BlockSpec((1, C_), small),
        ],
        out_specs=(
            pl.BlockSpec((1, SCH, C_), lambda b, sc: (b, sc, 0)),
            pl.BlockSpec((1, SCH, C_), lambda b, sc: (b, sc, 0)),
        ),
        out_shape=(
            jax.ShapeDtypeStruct((B_, S_, C_), f32),
            jax.ShapeDtypeStruct((B_, S_, C_), f32),
        ),
    )(h2a, h2b, a2a_t, c2a_t, a2b_t, c2b_t, grouped4, npnts, sdiv_t,
      al_t, be_t)



def kernel(xyz, points, alpha, beta, W1, b1, g1, bb1, W2, b2, g2, bb2):
    f32 = jnp.float32
    xyz_t = jnp.transpose(xyz, (0, 2, 1))
    xyz_v = xyz_t.reshape(B_, 3, 64, 128)

    nx, ny, nz, fps_g = _run_fps(xyz_v)
    new_xyz = jnp.stack([nx, ny, nz], axis=-1)

    idx = _run_knn(new_xyz, xyz_t)

    idx_all = jnp.concatenate(
        [idx.reshape(NROWS), fps_g.reshape(B_ * S_)], axis=0)
    table = jnp.pad(points.reshape(B_ * N_, C_), ((0, 0), (0, C_)))
    rows = _run_sc_gather(table, idx_all)[:, :C_]
    grouped4 = rows[:NROWS].reshape(B_, S_, K_, C_)
    npnts = rows[NROWS:].reshape(B_, S_, C_)

    ssq = _run_p2(grouped4)
    std = jnp.sqrt(ssq[:, 0, 0] / (NSTD - 1))
    sdiv_t = std + 1e-5

    al_t = alpha.reshape(1, C_)
    be_t = beta.reshape(1, C_)
    w1t = W1.T
    h1, s1, s2 = _run_p3(grouped4, npnts, sdiv_t, al_t, be_t,
                         w1t[:C_, :], w1t[C_:, :], b1.reshape(1, D2_))

    m1 = s1 / CNT
    v1 = s2 / CNT - m1 * m1
    sc1 = g1.reshape(1, D2_) / jnp.sqrt(v1 + 1e-5)
    a1_t = sc1
    c1_t = bb1.reshape(1, D2_) - sc1 * m1

    w2t = W2.T
    h2a, h2b, t1a, t1b, t2a, t2b = _run_p4(
        h1, a1_t, c1_t, w2t[:, :C_], w2t[:, C_:],
        b2.reshape(1, D2_)[:, :C_], b2.reshape(1, D2_)[:, C_:])
    t1 = jnp.concatenate([t1a, t1b], axis=1)
    t2 = jnp.concatenate([t2a, t2b], axis=1)

    m2 = t1 / CNT
    v2 = t2 / CNT - m2 * m2
    sc2 = g2.reshape(1, D2_) / jnp.sqrt(v2 + 1e-5)
    c2 = bb2.reshape(1, D2_) - sc2 * m2
    o1, o2 = _run_p5(h2a, h2b, sc2[:, :C_], c2[:, :C_], sc2[:, C_:],
                     c2[:, C_:], grouped4, npnts, sdiv_t, al_t, be_t)

    h = jnp.concatenate([o1, o2], axis=-1)
    return (new_xyz.astype(f32), h.astype(f32))

# --- scband reference (transcript-rebuilt; emitter-appended) ---
"""Pipeline reference for scband-multi-grouping-19396072308836 (READ-ONLY COPY).

The authoritative reference and input builder live on the scoring server;
editing this copy changes nothing except your own understanding.
"""

import jax, jax.numpy as jnp
import numpy as np

B, N, C_FEAT = 4, 8192, 64
S, K = 1024, 24
D2 = 2 * C_FEAT  # 128


def fps(xyz, n_samples):
    # furthest point sampling; returns int32 indices [B, S]
    xyz = jax.lax.stop_gradient(xyz)
    b, n, _ = xyz.shape
    dist0 = jnp.full((b, n), 1e10, dtype=jnp.float32)
    far0 = jnp.zeros((b,), dtype=jnp.int32)

    def step(carry, _):
        dist, far = carry
        centroid = jnp.take_along_axis(xyz, far[:, None, None].astype(jnp.int32), axis=1)  # [b,1,3]
        d = jnp.sum((xyz - centroid) ** 2, axis=-1)
        dist = jnp.minimum(dist, d)
        newfar = jnp.argmax(dist, axis=-1).astype(jnp.int32)
        return (dist, newfar), far

    (_, _), idxs = jax.lax.scan(step, (dist0, far0), None, length=n_samples)
    return idxs.T  # [b, S]


def index_points(pts, idx):
    # pts [B,N,D]; idx [B,S] -> [B,S,D], idx [B,S,K] -> [B,S,K,D]
    if idx.ndim == 2:
        return jnp.take_along_axis(pts, idx[:, :, None], axis=1)
    b, s, k = idx.shape
    flat = idx.reshape(b, s * k)
    g = jnp.take_along_axis(pts, flat[:, :, None], axis=1)
    return g.reshape(b, s, k, pts.shape[-1])


def knn_point(k, xyz, new_xyz):
    # squared distances [B,S,N], take k smallest
    d = (jnp.sum(new_xyz ** 2, axis=-1, keepdims=True)
         + jnp.sum(xyz ** 2, axis=-1)[:, None, :]
         - 2.0 * jnp.einsum('bsc,bnc->bsn', new_xyz, xyz))
    d = jax.lax.stop_gradient(d)
    _, idx = jax.lax.top_k(-d, k)
    return idx


def setup_inputs(seed: int = 0) -> dict:
    key = jax.random.key(seed)
    ks = jax.random.split(key, 8)
    inp = {}
    inp['xyz'] = jax.random.uniform(ks[0], (B, N, 3), dtype=jnp.float32)
    inp['points'] = jax.random.normal(ks[1], (B, N, C_FEAT), dtype=jnp.float32)
    # LocalGrouper affine params (use_xyz=False -> channel only)
    inp['alpha'] = jnp.ones((1, 1, 1, C_FEAT), dtype=jnp.float32)
    inp['beta'] = jnp.zeros((1, 1, 1, C_FEAT), dtype=jnp.float32)
    # Local_Aggregation: two 1x1 Conv1d (2c->2c) + BN params
    inp['W1'] = jax.random.normal(ks[2], (D2, D2), dtype=jnp.float32) * 0.05
    inp['b1'] = jnp.zeros((D2,), dtype=jnp.float32)
    inp['g1'] = jnp.ones((D2,), dtype=jnp.float32)
    inp['bb1'] = jnp.zeros((D2,), dtype=jnp.float32)
    inp['W2'] = jax.random.normal(ks[3], (D2, D2), dtype=jnp.float32) * 0.05
    inp['b2'] = jnp.zeros((D2,), dtype=jnp.float32)
    inp['g2'] = jnp.ones((D2,), dtype=jnp.float32)
    inp['bb2'] = jnp.zeros((D2,), dtype=jnp.float32)
    return inp


def _batchnorm1d(x, g, b):
    # training-mode BN over [BN, C, S]: stats over dims (0,2), biased var
    m = jnp.mean(x, axis=(0, 2), keepdims=True)
    v = jnp.var(x, axis=(0, 2), keepdims=True)
    return g[None, :, None] * (x - m) / jnp.sqrt(v + 1e-5) + b[None, :, None]


def reference(xyz, points, alpha, beta, W1, b1, g1, bb1, W2, b2, g2, bb2):
    b = xyz.shape[0]
    # --- LocalGrouper ---
    fps_idx = fps(xyz, S)
    new_xyz = index_points(xyz, fps_idx)          # [B,S,3]
    new_points = index_points(points, fps_idx)    # [B,S,c]
    idx = knn_point(K, xyz, new_xyz)              # [B,S,K]
    grouped_points = index_points(points, idx)    # [B,S,K,c]  (use_xyz=False)
    # normalize == 'center'
    mean = jnp.mean(grouped_points, axis=2, keepdims=True)
    centered = grouped_points - mean
    std = jnp.std(centered.reshape(b, -1), axis=-1, ddof=1)[:, None, None, None]
    grouped_points = centered / (std + 1e-5)
    grouped_points = alpha * grouped_points + beta
    rep = jnp.broadcast_to(new_points[:, :, None, :], (b, S, K, new_points.shape[-1]))
    new_feature = jnp.concatenate([grouped_points, rep], axis=-1)  # [B,S,K,2c]
    # --- Local_Aggregation ---
    d = new_feature.shape[-1]
    x = jnp.transpose(new_feature, (0, 1, 3, 2)).reshape(-1, d, K)  # [B*S, d, K]
    h = jnp.einsum('bcs,oc->bos', x, W1) + b1[None, :, None]
    h = _batchnorm1d(h, g1, bb1)
    h = jax.nn.leaky_relu(h, 0.01)
    h = jnp.einsum('bcs,oc->bos', h, W2) + b2[None, :, None]
    h = _batchnorm1d(h, g2, bb2)
    h = jax.nn.leaky_relu(h + x, 0.01)
    h = jnp.max(h, axis=2)              # adaptive_max_pool1d(1)
    h = h.reshape(b, S, -1)             # [B,S,2c]
    return (new_xyz, h)

if __name__ == "__main__":
    import jax
    _d = setup_inputs()
    print(jax.jit(kernel)(*tuple(_d.values())))

</pallas_src>

<mosaic_0001>
#map = affine_map<(d0, d1) -> (0, 0)>
#map1 = affine_map<(d0, d1) -> (0)>
module attributes {stable_mosaic.version = 14 : i64} {
  func.func @_sc_gather_body(%arg0: i32, %arg1: i32, %arg2: memref<32768x128xf32, #tpu.memory_space<hbm>>, %arg3: memref<102400xi32, #tpu.memory_space<hbm>>, %arg4: memref<102400x128xf32, #tpu.memory_space<hbm>>, %arg5: memref<800xi32, #tpu.memory_space<vmem>>, %arg6: memref<800x128xf32, #tpu.memory_space<vmem>>, %arg7: memref<!tpu.dma_semaphore, #tpu.memory_space<semaphore_mem>>) attributes {dimension_semantics = [#tpu.dimension_semantics<core_parallel>, #tpu.dimension_semantics<subcore_parallel>], iteration_bounds = array<i64: 2, 16>, scalar_prefetch = 0 : i64, scratch_operands = 3 : i64, tpu.core_type = #tpu.core_type<sc_vector_subcore>, window_params = [{transform_indices = #map}, {transform_indices = #map1}, {transform_indices = #map}]} {
    %mul3A = arith.constant 2 : i32
    %mul3A_0 = arith.muli %arg1, %mul3A : i32
    %add3A = arith.addi %mul3A_0, %arg0 : i32
    %mul3A_1 = arith.constant 3200 : i32
    %mul3A_2 = arith.muli %add3A, %mul3A_1 : i32
    %add3A_3 = arith.constant 0 : i32
    %add3A_4 = arith.addi %mul3A_2, %add3A_3 : i32
    "tpu.region"() ({
      %run_scoped3A = tpu.sem_alloc : memref<!tpu.dma_semaphore, #tpu.memory_space<semaphore_mem>>
      %dma_start3A_33 = tpu.memref_slice %arg3[%add3A_4] : memref<102400xi32, #tpu.memory_space<hbm>> -> memref<800xi32, #tpu.memory_space<hbm>>
      %dma_start3A_34 = tpu.memref_slice %arg3[%add3A_4] : memref<102400xi32, #tpu.memory_space<hbm>> -> memref<800xi32, #tpu.memory_space<hbm>>
      tpu.enqueue_dma source(%dma_start3A_34 : memref<800xi32, #tpu.memory_space<hbm>>) target(%arg5 : memref<800xi32, #tpu.memory_space<vmem>>) target_semaphore(%run_scoped3A : memref<!tpu.dma_semaphore, #tpu.memory_space<semaphore_mem>>)
      %dma_wait3A_35 = tpu.memref_slice %arg3[%add3A_4] : memref<102400xi32, #tpu.memory_space<hbm>> -> memref<800xi32, #tpu.memory_space<hbm>>
      %dma_wait3A_36 = tpu.memref_slice %arg3[%add3A_4] : memref<102400xi32, #tpu.memory_space<hbm>> -> memref<800xi32, #tpu.memory_space<hbm>>
      tpu.wait_dma2 semaphore(%run_scoped3A : memref<!tpu.dma_semaphore, #tpu.memory_space<semaphore_mem>>) src(%dma_wait3A_36 : memref<800xi32, #tpu.memory_space<hbm>>) dst(%arg5 : memref<800xi32, #tpu.memory_space<vmem>>)
      tpu.yield
    }) : () -> ()
    %dma_start3A = arith.constant 0 : i32
    %dma_start3A_5 = arith.constant 0 : i32
    %dma_start3A_6 = tpu.memref_slice %arg2[%dma_start3A, %dma_start3A_5] : memref<32768x128xf32, #tpu.memory_space<hbm>> -> memref<32768x128xf32, #tpu.memory_space<hbm>>
    tpu.enqueue_indirect_dma source(%dma_start3A_6 : memref<32768x128xf32, #tpu.memory_space<hbm>>) target(%arg6 : memref<800x128xf32, #tpu.memory_space<vmem>>) offsets(%arg5 : memref<800xi32, #tpu.memory_space<vmem>>) semaphore(%arg7 : memref<!tpu.dma_semaphore, #tpu.memory_space<semaphore_mem>>)
    %dma_wait3A = arith.constant 0 : i32
    %dma_wait3A_7 = arith.constant 0 : i32
    %dma_wait3A_8 = tpu.memref_slice %arg2[%dma_wait3A, %dma_wait3A_7] : memref<32768x128xf32, #tpu.memory_space<hbm>> -> memref<32768x128xf32, #tpu.memory_space<hbm>>
    tpu.wait_indirect_dma semaphore(%arg7 : memref<!tpu.dma_semaphore, #tpu.memory_space<semaphore_mem>>) src(%dma_wait3A_8 : memref<32768x128xf32, #tpu.memory_space<hbm>>) dst(%arg6 : memref<800x128xf32, #tpu.memory_space<vmem>>)
    "tpu.region"() ({
      %run_scoped3A = tpu.sem_alloc : memref<!tpu.dma_semaphore, #tpu.memory_space<semaphore_mem>>
      %dma_start3A_33 = arith.constant 0 : i32
      %dma_start3A_34 = tpu.memref_slice %arg4[%add3A_4, %dma_start3A_33] : memref<102400x128xf32, #tpu.memory_space<hbm>> -> memref<800x128xf32, #tpu.memory_space<hbm>>
      %dma_start3A_35 = arith.constant 0 : i32
      %dma_start3A_36 = tpu.memref_slice %arg4[%add3A_4, %dma_start3A_35] : memref<102400x128xf32, #tpu.memory_space<hbm>> -> memref<800x128xf32, #tpu.memory_space<hbm>>
      tpu.enqueue_dma source(%arg6 : memref<800x128xf32, #tpu.memory_space<vmem>>) target(%dma_start3A_36 : memref<800x128xf32, #tpu.memory_space<hbm>>) target_semaphore(%run_scoped3A : memref<!tpu.dma_semaphore, #tpu.memory_space<semaphore_mem>>)
      %dma_wait3A_37 = arith.constant 0 : i32
      %dma_wait3A_38 = tpu.memref_slice %arg4[%add3A_4, %dma_wait3A_37] : memref<102400x128xf32, #tpu.memory_space<hbm>> -> memref<800x128xf32, #tpu.memory_space<hbm>>
      %dma_wait3A_39 = arith.constant 0 : i32
      %dma_wait3A_40 = tpu.memref_slice %arg4[%add3A_4, %dma_wait3A_39] : memref<102400x128xf32, #tpu.memory_space<hbm>> -> memref<800x128xf32, #tpu.memory_space<hbm>>
      tpu.wait_dma2 semaphore(%run_scoped3A : memref<!tpu.dma_semaphore, #tpu.memory_space<semaphore_mem>>) src(%arg6 : memref<800x128xf32, #tpu.memory_space<vmem>>) dst(%dma_wait3A_40 : memref<800x128xf32, #tpu.memory_space<hbm>>)
      tpu.yield
    }) : () -> ()
    %add3A_9 = arith.constant 800 : i32
    %add3A_10 = arith.addi %mul3A_2, %add3A_9 : i32
    "tpu.region"() ({
      %run_scoped3A = tpu.sem_alloc : memref<!tpu.dma_semaphore, #tpu.memory_space<semaphore_mem>>
      %dma_start3A_33 = tpu.memref_slice %arg3[%add3A_10] : memref<102400xi32, #tpu.memory_space<hbm>> -> memref<800xi32, #tpu.memory_space<hbm>>
      %dma_start3A_34 = tpu.memref_slice %arg3[%add3A_10] : memref<102400xi32, #tpu.memory_space<hbm>> -> memref<800xi32, #tpu.memory_space<hbm>>
      tpu.enqueue_dma source(%dma_start3A_34 : memref<800xi32, #tpu.memory_space<hbm>>) target(%arg5 : memref<800xi32, #tpu.memory_space<vmem>>) target_semaphore(%run_scoped3A : memref<!tpu.dma_semaphore, #tpu.memory_space<semaphore_mem>>)
      %dma_wait3A_35 = tpu.memref_slice %arg3[%add3A_10] : memref<102400xi32, #tpu.memory_space<hbm>> -> memref<800xi32, #tpu.memory_space<hbm>>
      %dma_wait3A_36 = tpu.memref_slice %arg3[%add3A_10] : memref<102400xi32, #tpu.memory_space<hbm>> -> memref<800xi32, #tpu.memory_space<hbm>>
      tpu.wait_dma2 semaphore(%run_scoped3A : memref<!tpu.dma_semaphore, #tpu.memory_space<semaphore_mem>>) src(%dma_wait3A_36 : memref<800xi32, #tpu.memory_space<hbm>>) dst(%arg5 : memref<800xi32, #tpu.memory_space<vmem>>)
      tpu.yield
    }) : () -> ()
    %dma_start3A_11 = arith.constant 0 : i32
    %dma_start3A_12 = arith.constant 0 : i32
    %dma_start3A_13 = tpu.memref_slice %arg2[%dma_start3A_11, %dma_start3A_12] : memref<32768x128xf32, #tpu.memory_space<hbm>> -> memref<32768x128xf32, #tpu.memory_space<hbm>>
    tpu.enqueue_indirect_dma source(%dma_start3A_13 : memref<32768x128xf32, #tpu.memory_space<hbm>>) target(%arg6 : memref<800x128xf32, #tpu.memory_space<vmem>>) offsets(%arg5 : memref<800xi32, #tpu.memory_space<vmem>>) semaphore(%arg7 : memref<!tpu.dma_semaphore, #tpu.memory_space<semaphore_mem>>)
    %dma_wait3A_14 = arith.constant 0 : i32
    %dma_wait3A_15 = arith.constant 0 : i32
    %dma_wait3A_16 = tpu.memref_slice %arg2[%dma_wait3A_14, %dma_wait3A_15] : memref<32768x128xf32, #tpu.memory_space<hbm>> -> memref<32768x128xf32, #tpu.memory_space<hbm>>
    tpu.wait_indirect_dma semaphore(%arg7 : memref<!tpu.dma_semaphore, #tpu.memory_space<semaphore_mem>>) src(%dma_wait3A_16 : memref<32768x128xf32, #tpu.memory_space<hbm>>) dst(%arg6 : memref<800x128xf32, #tpu.memory_space<vmem>>)
    "tpu.region"() ({
      %run_scoped3A = tpu.sem_alloc : memref<!tpu.dma_semaphore, #tpu.memory_space<semaphore_mem>>
      %dma_start3A_33 = arith.constant 0 : i32
      %dma_start3A_34 = tpu.memref_slice %arg4[%add3A_10, %dma_start3A_33] : memref<102400x128xf32, #tpu.memory_space<hbm>> -> memref<800x128xf32, #tpu.memory_space<hbm>>
      %dma_start3A_35 = arith.constant 0 : i32
      %dma_start3A_36 = tpu.memref_slice %arg4[%add3A_10, %dma_start3A_35] : memref<102400x128xf32, #tpu.memory_space<hbm>> -> memref<800x128xf32, #tpu.memory_space<hbm>>
      tpu.enqueue_dma source(%arg6 : memref<800x128xf32, #tpu.memory_space<vmem>>) target(%dma_start3A_36 : memref<800x128xf32, #tpu.memory_space<hbm>>) target_semaphore(%run_scoped3A : memref<!tpu.dma_semaphore, #tpu.memory_space<semaphore_mem>>)
      %dma_wait3A_37 = arith.constant 0 : i32
      %dma_wait3A_38 = tpu.memref_slice %arg4[%add3A_10, %dma_wait3A_37] : memref<102400x128xf32, #tpu.memory_space<hbm>> -> memref<800x128xf32, #tpu.memory_space<hbm>>
      %dma_wait3A_39 = arith.constant 0 : i32
      %dma_wait3A_40 = tpu.memref_slice %arg4[%add3A_10, %dma_wait3A_39] : memref<102400x128xf32, #tpu.memory_space<hbm>> -> memref<800x128xf32, #tpu.memory_space<hbm>>
      tpu.wait_dma2 semaphore(%run_scoped3A : memref<!tpu.dma_semaphore, #tpu.memory_space<semaphore_mem>>) src(%arg6 : memref<800x128xf32, #tpu.memory_space<vmem>>) dst(%dma_wait3A_40 : memref<800x128xf32, #tpu.memory_space<hbm>>)
      tpu.yield
    }) : () -> ()
    %add3A_17 = arith.constant 1600 : i32
    %add3A_18 = arith.addi %mul3A_2, %add3A_17 : i32
    "tpu.region"() ({
      %run_scoped3A = tpu.sem_alloc : memref<!tpu.dma_semaphore, #tpu.memory_space<semaphore_mem>>
      %dma_start3A_33 = tpu.memref_slice %arg3[%add3A_18] : memref<102400xi32, #tpu.memory_space<hbm>> -> memref<800xi32, #tpu.memory_space<hbm>>
      %dma_start3A_34 = tpu.memref_slice %arg3[%add3A_18] : memref<102400xi32, #tpu.memory_space<hbm>> -> memref<800xi32, #tpu.memory_space<hbm>>
      tpu.enqueue_dma source(%dma_start3A_34 : memref<800xi32, #tpu.memory_space<hbm>>) target(%arg5 : memref<800xi32, #tpu.memory_space<vmem>>) target_semaphore(%run_scoped3A : memref<!tpu.dma_semaphore, #tpu.memory_space<semaphore_mem>>)
      %dma_wait3A_35 = tpu.memref_slice %arg3[%add3A_18] : memref<102400xi32, #tpu.memory_space<hbm>> -> memref<800xi32, #tpu.memory_space<hbm>>
      %dma_wait3A_36 = tpu.memref_slice %arg3[%add3A_18] : memref<102400xi32, #tpu.memory_space<hbm>> -> memref<800xi32, #tpu.memory_space<hbm>>
      tpu.wait_dma2 semaphore(%run_scoped3A : memref<!tpu.dma_semaphore, #tpu.memory_space<semaphore_mem>>) src(%dma_wait3A_36 : memref<800xi32, #tpu.memory_space<hbm>>) dst(%arg5 : memref<800xi32, #tpu.memory_space<vmem>>)
      tpu.yield
    }) : () -> ()
    %dma_start3A_19 = arith.constant 0 : i32
    %dma_start3A_20 = arith.constant 0 : i32
    %dma_start3A_21 = tpu.memref_slice %arg2[%dma_start3A_19, %dma_start3A_20] : memref<32768x128xf32, #tpu.memory_space<hbm>> -> memref<32768x128xf32, #tpu.memory_space<hbm>>
    tpu.enqueue_indirect_dma source(%dma_start3A_21 : memref<32768x128xf32, #tpu.memory_space<hbm>>) target(%arg6 : memref<800x128xf32, #tpu.memory_space<vmem>>) offsets(%arg5 : memref<800xi32, #tpu.memory_space<vmem>>) semaphore(%arg7 : memref<!tpu.dma_semaphore, #tpu.memory_space<semaphore_mem>>)
    %dma_wait3A_22 = arith.constant 0 : i32
    %dma_wait3A_23 = arith.constant 0 : i32
    %dma_wait3A_24 = tpu.memref_slice %arg2[%dma_wait3A_22, %dma_wait3A_23] : memref<32768x128xf32, #tpu.memory_space<hbm>> -> memref<32768x128xf32, #tpu.memory_space<hbm>>
    tpu.wait_indirect_dma semaphore(%arg7 : memref<!tpu.dma_semaphore, #tpu.memory_space<semaphore_mem>>) src(%dma_wait3A_24 : memref<32768x128xf32, #tpu.memory_space<hbm>>) dst(%arg6 : memref<800x128xf32, #tpu.memory_space<vmem>>)
    "tpu.region"() ({
      %run_scoped3A = tpu.sem_alloc : memref<!tpu.dma_semaphore, #tpu.memory_space<semaphore_mem>>
      %dma_start3A_33 = arith.constant 0 : i32
      %dma_start3A_34 = tpu.memref_slice %arg4[%add3A_18, %dma_start3A_33] : memref<102400x128xf32, #tpu.memory_space<hbm>> -> memref<800x128xf32, #tpu.memory_space<hbm>>
      %dma_start3A_35 = arith.constant 0 : i32
      %dma_start3A_36 = tpu.memref_slice %arg4[%add3A_18, %dma_start3A_35] : memref<102400x128xf32, #tpu.memory_space<hbm>> -> memref<800x128xf32, #tpu.memory_space<hbm>>
      tpu.enqueue_dma source(%arg6 : memref<800x128xf32, #tpu.memory_space<vmem>>) target(%dma_start3A_36 : memref<800x128xf32, #tpu.memory_space<hbm>>) target_semaphore(%run_scoped3A : memref<!tpu.dma_semaphore, #tpu.memory_space<semaphore_mem>>)
      %dma_wait3A_37 = arith.constant 0 : i32
      %dma_wait3A_38 = tpu.memref_slice %arg4[%add3A_18, %dma_wait3A_37] : memref<102400x128xf32, #tpu.memory_space<hbm>> -> memref<800x128xf32, #tpu.memory_space<hbm>>
      %dma_wait3A_39 = arith.constant 0 : i32
      %dma_wait3A_40 = tpu.memref_slice %arg4[%add3A_18, %dma_wait3A_39] : memref<102400x128xf32, #tpu.memory_space<hbm>> -> memref<800x128xf32, #tpu.memory_space<hbm>>
      tpu.wait_dma2 semaphore(%run_scoped3A : memref<!tpu.dma_semaphore, #tpu.memory_space<semaphore_mem>>) src(%arg6 : memref<800x128xf32, #tpu.memory_space<vmem>>) dst(%dma_wait3A_40 : memref<800x128xf32, #tpu.memory_space<hbm>>)
      tpu.yield
    }) : () -> ()
    %add3A_25 = arith.constant 2400 : i32
    %add3A_26 = arith.addi %mul3A_2, %add3A_25 : i32
    "tpu.region"() ({
      %run_scoped3A = tpu.sem_alloc : memref<!tpu.dma_semaphore, #tpu.memory_space<semaphore_mem>>
      %dma_start3A_33 = tpu.memref_slice %arg3[%add3A_26] : memref<102400xi32, #tpu.memory_space<hbm>> -> memref<800xi32, #tpu.memory_space<hbm>>
      %dma_start3A_34 = tpu.memref_slice %arg3[%add3A_26] : memref<102400xi32, #tpu.memory_space<hbm>> -> memref<800xi32, #tpu.memory_space<hbm>>
      tpu.enqueue_dma source(%dma_start3A_34 : memref<800xi32, #tpu.memory_space<hbm>>) target(%arg5 : memref<800xi32, #tpu.memory_space<vmem>>) target_semaphore(%run_scoped3A : memref<!tpu.dma_semaphore, #tpu.memory_space<semaphore_mem>>)
      %dma_wait3A_35 = tpu.memref_slice %arg3[%add3A_26] : memref<102400xi32, #tpu.memory_space<hbm>> -> memref<800xi32, #tpu.memory_space<hbm>>
      %dma_wait3A_36 = tpu.memref_slice %arg3[%add3A_26] : memref<102400xi32, #tpu.memory_space<hbm>> -> memref<800xi32, #tpu.memory_space<hbm>>
      tpu.wait_dma2 semaphore(%run_scoped3A : memref<!tpu.dma_semaphore, #tpu.memory_space<semaphore_mem>>) src(%dma_wait3A_36 : memref<800xi32, #tpu.memory_space<hbm>>) dst(%arg5 : memref<800xi32, #tpu.memory_space<vmem>>)
      tpu.yield
    }) : () -> ()
    %dma_start3A_27 = arith.constant 0 : i32
    %dma_start3A_28 = arith.constant 0 : i32
    %dma_start3A_29 = tpu.memref_slice %arg2[%dma_start3A_27, %dma_start3A_28] : memref<32768x128xf32, #tpu.memory_space<hbm>> -> memref<32768x128xf32, #tpu.memory_space<hbm>>
    tpu.enqueue_indirect_dma source(%dma_start3A_29 : memref<32768x128xf32, #tpu.memory_space<hbm>>) target(%arg6 : memref<800x128xf32, #tpu.memory_space<vmem>>) offsets(%arg5 : memref<800xi32, #tpu.memory_space<vmem>>) semaphore(%arg7 : memref<!tpu.dma_semaphore, #tpu.memory_space<semaphore_mem>>)
    %dma_wait3A_30 = arith.constant 0 : i32
    %dma_wait3A_31 = arith.constant 0 : i32
    %dma_wait3A_32 = tpu.memref_slice %arg2[%dma_wait3A_30, %dma_wait3A_31] : memref<32768x128xf32, #tpu.memory_space<hbm>> -> memref<32768x128xf32, #tpu.memory_space<hbm>>
    tpu.wait_indirect_dma semaphore(%arg7 : memref<!tpu.dma_semaphore, #tpu.memory_space<semaphore_mem>>) src(%dma_wait3A_32 : memref<32768x128xf32, #tpu.memory_space<hbm>>) dst(%arg6 : memref<800x128xf32, #tpu.memory_space<vmem>>)
    "tpu.region"() ({
      %run_scoped3A = tpu.sem_alloc : memref<!tpu.dma_semaphore, #tpu.memory_space<semaphore_mem>>
      %dma_start3A_33 = arith.constant 0 : i32
      %dma_start3A_34 = tpu.memref_slice %arg4[%add3A_26, %dma_start3A_33] : memref<102400x128xf32, #tpu.memory_space<hbm>> -> memref<800x128xf32, #tpu.memory_space<hbm>>
      %dma_start3A_35 = arith.constant 0 : i32
      %dma_start3A_36 = tpu.memref_slice %arg4[%add3A_26, %dma_start3A_35] : memref<102400x128xf32, #tpu.memory_space<hbm>> -> memref<800x128xf32, #tpu.memory_space<hbm>>
      tpu.enqueue_dma source(%arg6 : memref<800x128xf32, #tpu.memory_space<vmem>>) target(%dma_start3A_36 : memref<800x128xf32, #tpu.memory_space<hbm>>) target_semaphore(%run_scoped3A : memref<!tpu.dma_semaphore, #tpu.memory_space<semaphore_mem>>)
      %dma_wait3A_37 = arith.constant 0 : i32
      %dma_wait3A_38 = tpu.memref_slice %arg4[%add3A_26, %dma_wait3A_37] : memref<102400x128xf32, #tpu.memory_space<hbm>> -> memref<800x128xf32, #tpu.memory_space<hbm>>
      %dma_wait3A_39 = arith.constant 0 : i32
      %dma_wait3A_40 = tpu.memref_slice %arg4[%add3A_26, %dma_wait3A_39] : memref<102400x128xf32, #tpu.memory_space<hbm>> -> memref<800x128xf32, #tpu.memory_space<hbm>>
      tpu.wait_dma2 semaphore(%run_scoped3A : memref<!tpu.dma_semaphore, #tpu.memory_space<semaphore_mem>>) src(%arg6 : memref<800x128xf32, #tpu.memory_space<vmem>>) dst(%dma_wait3A_40 : memref<800x128xf32, #tpu.memory_space<hbm>>)
      tpu.yield
    }) : () -> ()
    return
  }
}

module attributes {stable_mosaic.version = 14 : i64} {
  func.func @_fps_body(%arg0: memref<4x3x64x128xf32, #tpu.memory_space<vmem>>, %arg1: memref<4x1024xf32, #tpu.memory_space<vmem>>, %arg2: memref<4x1024xf32, #tpu.memory_space<vmem>>, %arg3: memref<4x1024xf32, #tpu.memory_space<vmem>>, %arg4: memref<4x1024xi32, #tpu.memory_space<vmem>>, %arg5: memref<4x64x128xf32, #tpu.memory_space<vmem>>) attributes {dimension_semantics = [], scalar_prefetch = 0 : i64, scratch_operands = 1 : i64, tpu.core_type = #tpu.core_type<tc>} {
    %get3A = arith.constant 0 : index
    %get3A_0 = arith.constant 0 : index
    %get3A_1 = arith.constant 0 : index
    %get3A_2 = arith.constant 0 : index
    %get3A_3 = vector.load %arg0[%get3A, %get3A_0, %get3A_1, %get3A_2] : memref<4x3x64x128xf32, #tpu.memory_space<vmem>>, vector<4x1x64x128xf32>
    %get3A_4 = vector.shape_cast %get3A_3 : vector<4x1x64x128xf32> to vector<4x64x128xf32>
    %get3A_5 = arith.constant 0 : index
    %get3A_6 = arith.constant 1 : index
    %get3A_7 = arith.constant 0 : index
    %get3A_8 = arith.constant 0 : index
    %get3A_9 = vector.load %arg0[%get3A_5, %get3A_6, %get3A_7, %get3A_8] : memref<4x3x64x128xf32, #tpu.memory_space<vmem>>, vector<4x1x64x128xf32>
    %get3A_10 = vector.shape_cast %get3A_9 : vector<4x1x64x128xf32> to vector<4x64x128xf32>
    %get3A_11 = arith.constant 0 : index
    %get3A_12 = arith.constant 2 : index
    %get3A_13 = arith.constant 0 : index
    %get3A_14 = arith.constant 0 : index
    %get3A_15 = vector.load %arg0[%get3A_11, %get3A_12, %get3A_13, %get3A_14] : memref<4x3x64x128xf32, #tpu.memory_space<vmem>>, vector<4x1x64x128xf32>
    %get3A_16 = vector.shape_cast %get3A_15 : vector<4x1x64x128xf32> to vector<4x64x128xf32>
    %iota3A = tpu.iota {dimensions = array<i32: 1>} : vector<1x64x128xi32>
    %iota3A_17 = tpu.iota {dimensions = array<i32: 2>} : vector<1x64x128xi32>
    %mul3A = arith.constant 128 : i32
    %mul3A_18 = vector.broadcast %mul3A : i32 to vector<1x64x128xi32>
    %mul3A_19 = arith.muli %iota3A, %mul3A_18 : vector<1x64x128xi32>
    %add3A = arith.addi %mul3A_19, %iota3A_17 : vector<1x64x128xi32>
    %iota3A_20 = tpu.iota {dimensions = array<i32: 1>} : vector<4x1024xi32>
    %iota3A_21 = tpu.iota {dimensions = array<i32: 0>} : vector<4x1xi32>
    %mul3A_22 = arith.constant 8192 : i32
    %mul3A_23 = vector.broadcast %mul3A_22 : i32 to vector<4x1xi32>
    %mul3A_24 = arith.muli %iota3A_21, %mul3A_23 : vector<4x1xi32>
    %broadcast_in_dim3A = arith.constant 1.000000e+10 : f32
    %broadcast_in_dim3A_25 = vector.broadcast %broadcast_in_dim3A : f32 to vector<4x64x128xf32>
    %swap3A = arith.constant 0 : index
    %swap3A_26 = arith.constant 0 : index
    %swap3A_27 = arith.constant 0 : index
    %swap3A_28 = vector.load %arg5[%swap3A, %swap3A_26, %swap3A_27] : memref<4x64x128xf32, #tpu.memory_space<vmem>>, vector<4x64x128xf32>
    tpu.vector_store %arg5[%swap3A, %swap3A_26, %swap3A_27], %broadcast_in_dim3A_25 {strides = array<i32>} : memref<4x64x128xf32, #tpu.memory_space<vmem>>, vector<4x64x128xf32>,
    %broadcast_in_dim3A_29 = arith.constant 0 : i32
    %broadcast_in_dim3A_30 = vector.broadcast %broadcast_in_dim3A_29 : i32 to vector<4x1x1xi32>
    %scan3A = arith.constant 0 : i32
    %scan3A_31 = arith.constant 1024 : i32
    %scan3A_32 = arith.addi %scan3A, %scan3A_31 : i32
    %scan3A_33 = arith.constant 1 : i32
    %scan3A_34 = scf.for %scan3A_36 = %scan3A to %scan3A_32 step %scan3A_33 iter_args(%scan3A_37 = %broadcast_in_dim3A_30) -> (vector<4x1x1xi32>)  : i32 {
      %jit3A = arith.constant 128 : i32
      %div3A = vector.broadcast %jit3A : i32 to vector<4x1x1xi32>
      %div3A_38 = arith.divsi %scan3A_37, %div3A : vector<4x1x1xi32>
      %sign3A = arith.constant 0 : i32
      %sign3A_39 = vector.broadcast %sign3A : i32 to vector<4x1x1xi32>
      %sign3A_40 = arith.cmpi sgt, %scan3A_37, %sign3A_39 : vector<4x1x1xi32>
      %sign3A_41 = arith.extui %sign3A_40 : vector<4x1x1xi1> to vector<4x1x1xi32>
      %sign3A_42 = arith.constant 0 : i32
      %sign3A_43 = vector.broadcast %sign3A_42 : i32 to vector<4x1x1xi32>
      %sign3A_44 = arith.cmpi slt, %scan3A_37, %sign3A_43 : vector<4x1x1xi32>
      %sign3A_45 = arith.extui %sign3A_44 : vector<4x1x1xi1> to vector<4x1x1xi32>
      %sign3A_46 = arith.subi %sign3A_41, %sign3A_45 : vector<4x1x1xi32>
      %sign3A_47 = arith.constant 0 : i32
      %sign3A_48 = arith.cmpi sgt, %jit3A, %sign3A_47 : i32
      %sign3A_49 = arith.extui %sign3A_48 : i1 to i32
      %sign3A_50 = arith.constant 0 : i32
      %sign3A_51 = arith.cmpi slt, %jit3A, %sign3A_50 : i32
      %sign3A_52 = arith.extui %sign3A_51 : i1 to i32
      %sign3A_53 = arith.subi %sign3A_49, %sign3A_52 : i32
      %ne3A = vector.broadcast %sign3A_53 : i32 to vector<4x1x1xi32>
      %ne3A_54 = arith.cmpi ne, %sign3A_46, %ne3A : vector<4x1x1xi32>
      %rem3A = vector.broadcast %jit3A : i32 to vector<4x1x1xi32>
      %rem3A_55 = arith.remsi %scan3A_37, %rem3A : vector<4x1x1xi32>
      %ne3A_56 = arith.constant 0 : i32
      %ne3A_57 = vector.broadcast %ne3A_56 : i32 to vector<4x1x1xi32>
      %ne3A_58 = arith.cmpi ne, %rem3A_55, %ne3A_57 : vector<4x1x1xi32>
      %and3A = arith.andi %ne3A_54, %ne3A_58 : vector<4x1x1xi1>
      %sub3A = arith.constant 1 : i32
      %sub3A_59 = vector.broadcast %sub3A : i32 to vector<4x1x1xi32>
      %sub3A_60 = arith.subi %div3A_38, %sub3A_59 : vector<4x1x1xi32>
      %select_n3A = arith.select %and3A, %sub3A_60, %div3A_38 : vector<4x1x1xi1>, vector<4x1x1xi32>
      %jit3A_61 = arith.constant 128 : i32
      %eq3A = arith.constant 0 : i32
      %eq3A_62 = arith.cmpi eq, %jit3A_61, %eq3A : i32
      %jit3A_63 = arith.constant 1 : i32
      %select_n3A_64 = arith.select %eq3A_62, %jit3A_63, %jit3A_61 : i32
      %rem3A_65 = vector.broadcast %select_n3A_64 : i32 to vector<4x1x1xi32>
      %rem3A_66 = arith.remsi %scan3A_37, %rem3A_65 : vector<4x1x1xi32>
      %ne3A_67 = arith.constant 0 : i32
      %ne3A_68 = vector.broadcast %ne3A_67 : i32 to vector<4x1x1xi32>
      %ne3A_69 = arith.cmpi ne, %rem3A_66, %ne3A_68 : vector<4x1x1xi32>
      %lt3A = arith.constant 0 : i32
      %lt3A_70 = vector.broadcast %lt3A : i32 to vector<4x1x1xi32>
      %lt3A_71 = arith.cmpi slt, %rem3A_66, %lt3A_70 : vector<4x1x1xi32>
      %lt3A_72 = arith.constant 0 : i32
      %lt3A_73 = arith.cmpi slt, %select_n3A_64, %lt3A_72 : i32
      %ne3A_74 = vector.broadcast %lt3A_73 : i1 to vector<4x1x1xi1>
      %ne3A_75 = vector.broadcast %ne3A_74 : vector<4x1x1xi1> to vector<4x1x1xi1>
      %ne3A_76 = arith.xori %lt3A_71, %ne3A_75 : vector<4x1x1xi1>
      %and3A_77 = arith.andi %ne3A_76, %ne3A_69 : vector<4x1x1xi1>
      %add3A_78 = vector.broadcast %select_n3A_64 : i32 to vector<4x1x1xi32>
      %add3A_79 = arith.addi %rem3A_66, %add3A_78 : vector<4x1x1xi32>
      %select_n3A_80 = arith.select %and3A_77, %add3A_79, %rem3A_66 : vector<4x1x1xi1>, vector<4x1x1xi32>
      %eq3A_81 = vector.broadcast %iota3A : vector<1x64x128xi32> to vector<4x64x128xi32>
      %eq3A_82 = vector.broadcast %select_n3A : vector<4x1x1xi32> to vector<4x64x128xi32>
      %eq3A_83 = arith.cmpi eq, %eq3A_81, %eq3A_82 : vector<4x64x128xi32>
      %eq3A_84 = vector.broadcast %iota3A_17 : vector<1x64x128xi32> to vector<4x64x128xi32>
      %eq3A_85 = vector.broadcast %select_n3A_80 : vector<4x1x1xi32> to vector<4x64x128xi32>
      %eq3A_86 = arith.cmpi eq, %eq3A_84, %eq3A_85 : vector<4x64x128xi32>
      %and3A_87 = arith.andi %eq3A_83, %eq3A_86 : vector<4x64x128xi1>
      %jit3A_88 = arith.constant 0.000000e+00 : f32
      %broadcast_in_dim3A_89 = vector.broadcast %jit3A_88 : f32 to vector<4x64x128xf32>
      %select_n3A_90 = arith.select %and3A_87, %get3A_4, %broadcast_in_dim3A_89 : vector<4x64x128xi1>, vector<4x64x128xf32>
      %reduce_sum3A = arith.constant dense<0.000000e+00> : vector<4xf32>
      %reduce_sum3A_91 = vector.multi_reduction <add>, %select_n3A_90, %reduce_sum3A [1, 2] : vector<4x64x128xf32> to vector<4xf32>
      %broadcast_in_dim3A_92 = vector.shape_cast %reduce_sum3A_91 : vector<4xf32> to vector<4x1x1xf32>
      %jit3A_93 = arith.constant 0.000000e+00 : f32
      %broadcast_in_dim3A_94 = vector.broadcast %jit3A_93 : f32 to vector<4x64x128xf32>
      %select_n3A_95 = arith.select %and3A_87, %get3A_10, %broadcast_in_dim3A_94 : vector<4x64x128xi1>, vector<4x64x128xf32>
      %reduce_sum3A_96 = arith.constant dense<0.000000e+00> : vector<4xf32>
      %reduce_sum3A_97 = vector.multi_reduction <add>, %select_n3A_95, %reduce_sum3A_96 [1, 2] : vector<4x64x128xf32> to vector<4xf32>
      %broadcast_in_dim3A_98 = vector.shape_cast %reduce_sum3A_97 : vector<4xf32> to vector<4x1x1xf32>
      %jit3A_99 = arith.constant 0.000000e+00 : f32
      %broadcast_in_dim3A_100 = vector.broadcast %jit3A_99 : f32 to vector<4x64x128xf32>
      %select_n3A_101 = arith.select %and3A_87, %get3A_16, %broadcast_in_dim3A_100 : vector<4x64x128xi1>, vector<4x64x128xf32>
      %reduce_sum3A_102 = arith.constant dense<0.000000e+00> : vector<4xf32>
      %reduce_sum3A_103 = vector.multi_reduction <add>, %select_n3A_101, %reduce_sum3A_102 [1, 2] : vector<4x64x128xf32> to vector<4xf32>
      %broadcast_in_dim3A_104 = vector.shape_cast %reduce_sum3A_103 : vector<4xf32> to vector<4x1x1xf32>
      %eq3A_105 = vector.broadcast %scan3A_36 : i32 to vector<4x1024xi32>
      %eq3A_106 = arith.cmpi eq, %iota3A_20, %eq3A_105 : vector<4x1024xi32>
      %squeeze3A = vector.shape_cast %broadcast_in_dim3A_92 : vector<4x1x1xf32> to vector<4x1xf32>
      %get3A_107 = arith.constant 0 : index
      %get3A_108 = arith.constant 0 : index
      %get3A_109 = vector.load %arg1[%get3A_107, %get3A_108] : memref<4x1024xf32, #tpu.memory_space<vmem>>, vector<4x1024xf32>
      %broadcast_in_dim3A_110 = vector.shape_cast %squeeze3A : vector<4x1xf32> to vector<4x1xf32>
      %broadcast_in_dim3A_111 = vector.broadcast %broadcast_in_dim3A_110 : vector<4x1xf32> to vector<4x1024xf32>
      %select_n3A_112 = arith.select %eq3A_106, %broadcast_in_dim3A_111, %get3A_109 : vector<4x1024xi1>, vector<4x1024xf32>
      %swap3A_113 = arith.constant 0 : index
      %swap3A_114 = arith.constant 0 : index
      %swap3A_115 = vector.load %arg1[%swap3A_113, %swap3A_114] : memref<4x1024xf32, #tpu.memory_space<vmem>>, vector<4x1024xf32>
      tpu.vector_store %arg1[%swap3A_113, %swap3A_114], %select_n3A_112 {strides = array<i32>} : memref<4x1024xf32, #tpu.memory_space<vmem>>, vector<4x1024xf32>,
      %squeeze3A_116 = vector.shape_cast %broadcast_in_dim3A_98 : vector<4x1x1xf32> to vector<4x1xf32>
      %get3A_117 = arith.constant 0 : index
      %get3A_118 = arith.constant 0 : index
      %get3A_119 = vector.load %arg2[%get3A_117, %get3A_118] : memref<4x1024xf32, #tpu.memory_space<vmem>>, vector<4x1024xf32>
      %broadcast_in_dim3A_120 = vector.shape_cast %squeeze3A_116 : vector<4x1xf32> to vector<4x1xf32>
      %broadcast_in_dim3A_121 = vector.broadcast %broadcast_in_dim3A_120 : vector<4x1xf32> to vector<4x1024xf32>
      %select_n3A_122 = arith.select %eq3A_106, %broadcast_in_dim3A_121, %get3A_119 : vector<4x1024xi1>, vector<4x1024xf32>
      %swap3A_123 = arith.constant 0 : index
      %swap3A_124 = arith.constant 0 : index
      %swap3A_125 = vector.load %arg2[%swap3A_123, %swap3A_124] : memref<4x1024xf32, #tpu.memory_space<vmem>>, vector<4x1024xf32>
      tpu.vector_store %arg2[%swap3A_123, %swap3A_124], %select_n3A_122 {strides = array<i32>} : memref<4x1024xf32, #tpu.memory_space<vmem>>, vector<4x1024xf32>,
      %squeeze3A_126 = vector.shape_cast %broadcast_in_dim3A_104 : vector<4x1x1xf32> to vector<4x1xf32>
      %get3A_127 = arith.constant 0 : index
      %get3A_128 = arith.constant 0 : index
      %get3A_129 = vector.load %arg3[%get3A_127, %get3A_128] : memref<4x1024xf32, #tpu.memory_space<vmem>>, vector<4x1024xf32>
      %broadcast_in_dim3A_130 = vector.shape_cast %squeeze3A_126 : vector<4x1xf32> to vector<4x1xf32>
      %broadcast_in_dim3A_131 = vector.broadcast %broadcast_in_dim3A_130 : vector<4x1xf32> to vector<4x1024xf32>
      %select_n3A_132 = arith.select %eq3A_106, %broadcast_in_dim3A_131, %get3A_129 : vector<4x1024xi1>, vector<4x1024xf32>
      %swap3A_133 = arith.constant 0 : index
      %swap3A_134 = arith.constant 0 : index
      %swap3A_135 = vector.load %arg3[%swap3A_133, %swap3A_134] : memref<4x1024xf32, #tpu.memory_space<vmem>>, vector<4x1024xf32>
      tpu.vector_store %arg3[%swap3A_133, %swap3A_134], %select_n3A_132 {strides = array<i32>} : memref<4x1024xf32, #tpu.memory_space<vmem>>, vector<4x1024xf32>,
      %squeeze3A_136 = vector.shape_cast %scan3A_37 : vector<4x1x1xi32> to vector<4x1xi32>
      %add3A_137 = arith.addi %squeeze3A_136, %mul3A_24 : vector<4x1xi32>
      %get3A_138 = arith.constant 0 : index
      %get3A_139 = arith.constant 0 : index
      %get3A_140 = vector.load %arg4[%get3A_138, %get3A_139] : memref<4x1024xi32, #tpu.memory_space<vmem>>, vector<4x1024xi32>
      %broadcast_in_dim3A_141 = vector.shape_cast %add3A_137 : vector<4x1xi32> to vector<4x1xi32>
      %broadcast_in_dim3A_142 = vector.broadcast %broadcast_in_dim3A_141 : vector<4x1xi32> to vector<4x1024xi32>
      %select_n3A_143 = arith.select %eq3A_106, %broadcast_in_dim3A_142, %get3A_140 : vector<4x1024xi1>, vector<4x1024xi32>
      %swap3A_144 = arith.constant 0 : index
      %swap3A_145 = arith.constant 0 : index
      %swap3A_146 = vector.load %arg4[%swap3A_144, %swap3A_145] : memref<4x1024xi32, #tpu.memory_space<vmem>>, vector<4x1024xi32>
      tpu.vector_store %arg4[%swap3A_144, %swap3A_145], %select_n3A_143 {strides = array<i32>} : memref<4x1024xi32, #tpu.memory_space<vmem>>, vector<4x1024xi32>,
      %sub3A_147 = vector.broadcast %broadcast_in_dim3A_92 : vector<4x1x1xf32> to vector<4x64x128xf32>
      %sub3A_148 = arith.subf %get3A_4, %sub3A_147 : vector<4x64x128xf32>
      %sub3A_149 = vector.broadcast %broadcast_in_dim3A_98 : vector<4x1x1xf32> to vector<4x64x128xf32>
      %sub3A_150 = arith.subf %get3A_10, %sub3A_149 : vector<4x64x128xf32>
      %sub3A_151 = vector.broadcast %broadcast_in_dim3A_104 : vector<4x1x1xf32> to vector<4x64x128xf32>
      %sub3A_152 = arith.subf %get3A_16, %sub3A_151 : vector<4x64x128xf32>
      %mul3A_153 = arith.mulf %sub3A_148, %sub3A_148 : vector<4x64x128xf32>
      %mul3A_154 = arith.mulf %sub3A_150, %sub3A_150 : vector<4x64x128xf32>
      %add3A_155 = arith.addf %mul3A_153, %mul3A_154 : vector<4x64x128xf32>
      %mul3A_156 = arith.mulf %sub3A_152, %sub3A_152 : vector<4x64x128xf32>
      %add3A_157 = arith.addf %add3A_155, %mul3A_156 : vector<4x64x128xf32>
      %get3A_158 = arith.constant 0 : index
      %get3A_159 = arith.constant 0 : index
      %get3A_160 = arith.constant 0 : index
      %get3A_161 = vector.load %arg5[%get3A_158, %get3A_159, %get3A_160] : memref<4x64x128xf32, #tpu.memory_space<vmem>>, vector<4x64x128xf32>
      %min3A = arith.minimumf %get3A_161, %add3A_157 : vector<4x64x128xf32>
      %swap3A_162 = arith.constant 0 : index
      %swap3A_163 = arith.constant 0 : index
      %swap3A_164 = arith.constant 0 : index
      %swap3A_165 = vector.load %arg5[%swap3A_162, %swap3A_163, %swap3A_164] : memref<4x64x128xf32, #tpu.memory_space<vmem>>, vector<4x64x128xf32>
      tpu.vector_store %arg5[%swap3A_162, %swap3A_163, %swap3A_164], %min3A {strides = array<i32>} : memref<4x64x128xf32, #tpu.memory_space<vmem>>, vector<4x64x128xf32>,
      %reduce_max3A = arith.constant dense<0xFF800000> : vector<4xf32>
      %reduce_max3A_166 = vector.multi_reduction <maximumf>, %min3A, %reduce_max3A [1, 2] : vector<4x64x128xf32> to vector<4xf32>
      %broadcast_in_dim3A_167 = vector.shape_cast %reduce_max3A_166 : vector<4xf32> to vector<4x1x1xf32>
      %eq3A_168 = vector.broadcast %broadcast_in_dim3A_167 : vector<4x1x1xf32> to vector<4x64x128xf32>
      %eq3A_169 = arith.cmpf oeq, %min3A, %eq3A_168 : vector<4x64x128xf32>
      %jit3A_170 = arith.constant 1073741824 : i32
      %broadcast_in_dim3A_171 = vector.shape_cast %add3A : vector<1x64x128xi32> to vector<1x64x128xi32>
      %broadcast_in_dim3A_172 = vector.broadcast %broadcast_in_dim3A_171 : vector<1x64x128xi32> to vector<4x64x128xi32>
      %broadcast_in_dim3A_173 = vector.broadcast %jit3A_170 : i32 to vector<4x64x128xi32>
      %select_n3A_174 = arith.select %eq3A_169, %broadcast_in_dim3A_172, %broadcast_in_dim3A_173 : vector<4x64x128xi1>, vector<4x64x128xi32>
      %reduce_min3A = arith.constant dense<2147483647> : vector<4xi32>
      %reduce_min3A_175 = vector.multi_reduction <minsi>, %select_n3A_174, %reduce_min3A [1, 2] : vector<4x64x128xi32> to vector<4xi32>
      %broadcast_in_dim3A_176 = vector.shape_cast %reduce_min3A_175 : vector<4xi32> to vector<4x1x1xi32>
      scf.yield %broadcast_in_dim3A_176 : vector<4x1x1xi32>
    }
    %scan3A_35 = arith.constant 1024 : i32
    return
  }
}

module attributes {stable_mosaic.version = 14 : i64} {
  func.func @_knn_body(%arg0: i32, %arg1: i32, %arg2: memref<1x128x3xf32, #tpu.memory_space<vmem>>, %arg3: memref<1x3x8192xf32, #tpu.memory_space<vmem>>, %arg4: memref<1x128x24xi32, #tpu.memory_space<vmem>>) attributes {dimension_semantics = [#tpu.dimension_semantics<arbitrary>, #tpu.dimension_semantics<arbitrary>], iteration_bounds = array<i64: 4, 8>, scalar_prefetch = 0 : i64, scratch_operands = 0 : i64, tpu.core_type = #tpu.core_type<tc>, window_params = [{transform_indices = @transform_0, window_bounds = array<i64: 1, 128, 3>}, {transform_indices = @transform_1, window_bounds = array<i64: 1, 3, 8192>}, {transform_indices = @transform_2, window_bounds = array<i64: 1, 128, 24>}]} {
    %get3A = arith.constant 0 : index
    %get3A_0 = arith.constant 0 : index
    %get3A_1 = arith.constant 0 : index
    %get3A_2 = vector.load %arg2[%get3A, %get3A_0, %get3A_1] : memref<1x128x3xf32, #tpu.memory_space<vmem>>, vector<1x128x3xf32>
    %get3A_3 = vector.shape_cast %get3A_2 : vector<1x128x3xf32> to vector<128x3xf32>
    %slice3A = vector.extract_strided_slice %get3A_3 {offsets = [0, 0], sizes = [128, 1], strides = [1, 1]} : vector<128x3xf32> to vector<128x1xf32>
    %slice3A_4 = vector.extract_strided_slice %get3A_3 {offsets = [0, 1], sizes = [128, 1], strides = [1, 1]} : vector<128x3xf32> to vector<128x1xf32>
    %slice3A_5 = vector.extract_strided_slice %get3A_3 {offsets = [0, 2], sizes = [128, 1], strides = [1, 1]} : vector<128x3xf32> to vector<128x1xf32>
    %get3A_6 = arith.constant 0 : index
    %get3A_7 = arith.constant 0 : index
    %get3A_8 = arith.constant 0 : index
    %get3A_9 = vector.load %arg3[%get3A_6, %get3A_7, %get3A_8] : memref<1x3x8192xf32, #tpu.memory_space<vmem>>, vector<1x1x8192xf32>
    %get3A_10 = vector.shape_cast %get3A_9 : vector<1x1x8192xf32> to vector<1x8192xf32>
    %get3A_11 = arith.constant 0 : index
    %get3A_12 = arith.constant 1 : index
    %get3A_13 = arith.constant 0 : index
    %get3A_14 = vector.load %arg3[%get3A_11, %get3A_12, %get3A_13] : memref<1x3x8192xf32, #tpu.memory_space<vmem>>, vector<1x1x8192xf32>
    %get3A_15 = vector.shape_cast %get3A_14 : vector<1x1x8192xf32> to vector<1x8192xf32>
    %get3A_16 = arith.constant 0 : index
    %get3A_17 = arith.constant 2 : index
    %get3A_18 = arith.constant 0 : index
    %get3A_19 = vector.load %arg3[%get3A_16, %get3A_17, %get3A_18] : memref<1x3x8192xf32, #tpu.memory_space<vmem>>, vector<1x1x8192xf32>
    %get3A_20 = vector.shape_cast %get3A_19 : vector<1x1x8192xf32> to vector<1x8192xf32>
    %mul3A = arith.mulf %slice3A, %slice3A : vector<128x1xf32>
    %mul3A_21 = arith.mulf %slice3A_4, %slice3A_4 : vector<128x1xf32>
    %add3A = arith.addf %mul3A, %mul3A_21 : vector<128x1xf32>
    %mul3A_22 = arith.mulf %slice3A_5, %slice3A_5 : vector<128x1xf32>
    %add3A_23 = arith.addf %add3A, %mul3A_22 : vector<128x1xf32>
    %mul3A_24 = arith.mulf %get3A_10, %get3A_10 : vector<1x8192xf32>
    %mul3A_25 = arith.mulf %get3A_15, %get3A_15 : vector<1x8192xf32>
    %add3A_26 = arith.addf %mul3A_24, %mul3A_25 : vector<1x8192xf32>
    %mul3A_27 = arith.mulf %get3A_20, %get3A_20 : vector<1x8192xf32>
    %add3A_28 = arith.addf %add3A_26, %mul3A_27 : vector<1x8192xf32>
    %convert_element_type3A = arith.truncf %slice3A : vector<128x1xf32> to vector<128x1xbf16>
    %convert_element_type3A_29 = arith.extf %convert_element_type3A : vector<128x1xbf16> to vector<128x1xf32>
    %convert_element_type3A_30 = arith.truncf %slice3A_4 : vector<128x1xf32> to vector<128x1xbf16>
    %convert_element_type3A_31 = arith.extf %convert_element_type3A_30 : vector<128x1xbf16> to vector<128x1xf32>
    %convert_element_type3A_32 = arith.truncf %slice3A_5 : vector<128x1xf32> to vector<128x1xbf16>
    %convert_element_type3A_33 = arith.extf %convert_element_type3A_32 : vector<128x1xbf16> to vector<128x1xf32>
    %convert_element_type3A_34 = arith.truncf %get3A_10 : vector<1x8192xf32> to vector<1x8192xbf16>
    %convert_element_type3A_35 = arith.extf %convert_element_type3A_34 : vector<1x8192xbf16> to vector<1x8192xf32>
    %convert_element_type3A_36 = arith.truncf %get3A_15 : vector<1x8192xf32> to vector<1x8192xbf16>
    %convert_element_type3A_37 = arith.extf %convert_element_type3A_36 : vector<1x8192xbf16> to vector<1x8192xf32>
    %convert_element_type3A_38 = arith.truncf %get3A_20 : vector<1x8192xf32> to vector<1x8192xbf16>
    %convert_element_type3A_39 = arith.extf %convert_element_type3A_38 : vector<1x8192xbf16> to vector<1x8192xf32>
    %mul3A_40 = vector.broadcast %convert_element_type3A_29 : vector<128x1xf32> to vector<128x8192xf32>
    %mul3A_41 = vector.broadcast %convert_element_type3A_35 : vector<1x8192xf32> to vector<128x8192xf32>
    %mul3A_42 = arith.mulf %mul3A_40, %mul3A_41 : vector<128x8192xf32>
    %mul3A_43 = vector.broadcast %convert_element_type3A_31 : vector<128x1xf32> to vector<128x8192xf32>
    %mul3A_44 = vector.broadcast %convert_element_type3A_37 : vector<1x8192xf32> to vector<128x8192xf32>
    %mul3A_45 = arith.mulf %mul3A_43, %mul3A_44 : vector<128x8192xf32>
    %add3A_46 = arith.addf %mul3A_42, %mul3A_45 : vector<128x8192xf32>
    %mul3A_47 = vector.broadcast %convert_element_type3A_33 : vector<128x1xf32> to vector<128x8192xf32>
    %mul3A_48 = vector.broadcast %convert_element_type3A_39 : vector<1x8192xf32> to vector<128x8192xf32>
    %mul3A_49 = arith.mulf %mul3A_47, %mul3A_48 : vector<128x8192xf32>
    %add3A_50 = arith.addf %add3A_46, %mul3A_49 : vector<128x8192xf32>
    %add3A_51 = vector.broadcast %add3A_23 : vector<128x1xf32> to vector<128x8192xf32>
    %add3A_52 = vector.broadcast %add3A_28 : vector<1x8192xf32> to vector<128x8192xf32>
    %add3A_53 = arith.addf %add3A_51, %add3A_52 : vector<128x8192xf32>
    %mul3A_54 = arith.constant 2.000000e+00 : f32
    %mul3A_55 = vector.broadcast %mul3A_54 : f32 to vector<128x8192xf32>
    %mul3A_56 = arith.mulf %mul3A_55, %add3A_50 : vector<128x8192xf32>
    %sub3A = arith.subf %add3A_53, %mul3A_56 : vector<128x8192xf32>
    %iota3A = tpu.iota {dimensions = array<i32: 1>} : vector<128x8192xi32>
    %mul3A_57 = arith.constant 8192 : i32
    %mul3A_58 = arith.muli %arg0, %mul3A_57 : i32
    %reduce_min3A = arith.constant dense<0x7F800000> : vector<128xf32>
    %reduce_min3A_59 = vector.multi_reduction <minimumf>, %sub3A, %reduce_min3A [1] : vector<128x8192xf32> to vector<128xf32>
    %broadcast_in_dim3A = vector.shape_cast %reduce_min3A_59 : vector<128xf32> to vector<128x1xf32>
    %eq3A = vector.broadcast %broadcast_in_dim3A : vector<128x1xf32> to vector<128x8192xf32>
    %eq3A_60 = arith.cmpf oeq, %sub3A, %eq3A : vector<128x8192xf32>
    %jit3A = arith.constant 1073741824 : i32
    %broadcast_in_dim3A_61 = vector.broadcast %jit3A : i32 to vector<128x8192xi32>
    %select_n3A = arith.select %eq3A_60, %iota3A, %broadcast_in_dim3A_61 : vector<128x8192xi1>, vector<128x8192xi32>
    %reduce_min3A_62 = arith.constant dense<2147483647> : vector<128xi32>
    %reduce_min3A_63 = vector.multi_reduction <minsi>, %select_n3A, %reduce_min3A_62 [1] : vector<128x8192xi32> to vector<128xi32>
    %broadcast_in_dim3A_64 = vector.shape_cast %reduce_min3A_63 : vector<128xi32> to vector<128x1xi32>
    %add3A_65 = vector.broadcast %mul3A_58 : i32 to vector<128x1xi32>
    %add3A_66 = arith.addi %broadcast_in_dim3A_64, %add3A_65 : vector<128x1xi32>
    %swap3A = arith.constant 0 : index
    %swap3A_67 = arith.constant 0 : index
    %swap3A_68 = arith.constant 0 : index
    %swap3A_69 = vector.load %arg4[%swap3A, %swap3A_67, %swap3A_68] : memref<1x128x24xi32, #tpu.memory_space<vmem>>, vector<1x128x1xi32>
    %swap3A_70 = vector.shape_cast %swap3A_69 : vector<1x128x1xi32> to vector<128x1xi32>
    %swap3A_71 = vector.shape_cast %add3A_66 : vector<128x1xi32> to vector<1x128x1xi32>
    tpu.vector_store %arg4[%swap3A, %swap3A_67, %swap3A_68], %swap3A_71 {strides = array<i32>} : memref<1x128x24xi32, #tpu.memory_space<vmem>>, vector<1x128x1xi32>,
    %eq3A_72 = vector.broadcast %broadcast_in_dim3A_64 : vector<128x1xi32> to vector<128x8192xi32>
    %eq3A_73 = arith.cmpi eq, %iota3A, %eq3A_72 : vector<128x8192xi32>
    %jit3A_74 = arith.constant 3.000000e+38 : f32
    %broadcast_in_dim3A_75 = vector.broadcast %jit3A_74 : f32 to vector<128x8192xf32>
    %select_n3A_76 = arith.select %eq3A_73, %broadcast_in_dim3A_75, %sub3A : vector<128x8192xi1>, vector<128x8192xf32>
    %reduce_min3A_77 = arith.constant dense<0x7F800000> : vector<128xf32>
    %reduce_min3A_78 = vector.multi_reduction <minimumf>, %select_n3A_76, %reduce_min3A_77 [1] : vector<128x8192xf32> to vector<128xf32>
    %broadcast_in_dim3A_79 = vector.shape_cast %reduce_min3A_78 : vector<128xf32> to vector<128x1xf32>
    %eq3A_80 = vector.broadcast %broadcast_in_dim3A_79 : vector<128x1xf32> to vector<128x8192xf32>
    %eq3A_81 = arith.cmpf oeq, %select_n3A_76, %eq3A_80 : vector<128x8192xf32>
    %jit3A_82 = arith.constant 1073741824 : i32
    %broadcast_in_dim3A_83 = vector.broadcast %jit3A_82 : i32 to vector<128x8192xi32>
    %select_n3A_84 = arith.select %eq3A_81, %iota3A, %broadcast_in_dim3A_83 : vector<128x8192xi1>, vector<128x8192xi32>
    %reduce_min3A_85 = arith.constant dense<2147483647> : vector<128xi32>
    %reduce_min3A_86 = vector.multi_reduction <minsi>, %select_n3A_84, %reduce_min3A_85 [1] : vector<128x8192xi32> to vector<128xi32>
    %broadcast_in_dim3A_87 = vector.shape_cast %reduce_min3A_86 : vector<128xi32> to vector<128x1xi32>
    %add3A_88 = vector.broadcast %mul3A_58 : i32 to vector<128x1xi32>
    %add3A_89 = arith.addi %broadcast_in_dim3A_87, %add3A_88 : vector<128x1xi32>
    %swap3A_90 = arith.constant 0 : index
    %swap3A_91 = arith.constant 0 : index
    %swap3A_92 = arith.constant 1 : index
    %swap3A_93 = vector.load %arg4[%swap3A_90, %swap3A_91, %swap3A_92] : memref<1x128x24xi32, #tpu.memory_space<vmem>>, vector<1x128x1xi32>
    %swap3A_94 = vector.shape_cast %swap3A_93 : vector<1x128x1xi32> to vector<128x1xi32>
    %swap3A_95 = vector.shape_cast %add3A_89 : vector<128x1xi32> to vector<1x128x1xi32>
    tpu.vector_store %arg4[%swap3A_90, %swap3A_91, %swap3A_92], %swap3A_95 {strides = array<i32>} : memref<1x128x24xi32, #tpu.memory_space<vmem>>, vector<1x128x1xi32>,
    %eq3A_96 = vector.broadcast %broadcast_in_dim3A_87 : vector<128x1xi32> to vector<128x8192xi32>
    %eq3A_97 = arith.cmpi eq, %iota3A, %eq3A_96 : vector<128x8192xi32>
    %jit3A_98 = arith.constant 3.000000e+38 : f32
    %broadcast_in_dim3A_99 = vector.broadcast %jit3A_98 : f32 to vector<128x8192xf32>
    %select_n3A_100 = arith.select %eq3A_97, %broadcast_in_dim3A_99, %select_n3A_76 : vector<128x8192xi1>, vector<128x8192xf32>
    %reduce_min3A_101 = arith.constant dense<0x7F800000> : vector<128xf32>
    %reduce_min3A_102 = vector.multi_reduction <minimumf>, %select_n3A_100, %reduce_min3A_101 [1] : vector<128x8192xf32> to vector<128xf32>
    %broadcast_in_dim3A_103 = vector.shape_cast %reduce_min3A_102 : vector<128xf32> to vector<128x1xf32>
    %eq3A_104 = vector.broadcast %broadcast_in_dim3A_103 : vector<128x1xf32> to vector<128x8192xf32>
    %eq3A_105 = arith.cmpf oeq, %select_n3A_100, %eq3A_104 : vector<128x8192xf32>
    %jit3A_106 = arith.constant 1073741824 : i32
    %broadcast_in_dim3A_107 = vector.broadcast %jit3A_106 : i32 to vector<128x8192xi32>
    %select_n3A_108 = arith.select %eq3A_105, %iota3A, %broadcast_in_dim3A_107 : vector<128x8192xi1>, vector<128x8192xi32>
    %reduce_min3A_109 = arith.constant dense<2147483647> : vector<128xi32>
    %reduce_min3A_110 = vector.multi_reduction <minsi>, %select_n3A_108, %reduce_min3A_109 [1] : vector<128x8192xi32> to vector<128xi32>
    %broadcast_in_dim3A_111 = vector.shape_cast %reduce_min3A_110 : vector<128xi32> to vector<128x1xi32>
    %add3A_112 = vector.broadcast %mul3A_58 : i32 to vector<128x1xi32>
    %add3A_113 = arith.addi %broadcast_in_dim3A_111, %add3A_112 : vector<128x1xi32>
    %swap3A_114 = arith.constant 0 : index
    %swap3A_115 = arith.constant 0 : index
    %swap3A_116 = arith.constant 2 : index
    %swap3A_117 = vector.load %arg4[%swap3A_114, %swap3A_115, %swap3A_116] : memref<1x128x24xi32, #tpu.memory_space<vmem>>, vector<1x128x1xi32>
    %swap3A_118 = vector.shape_cast %swap3A_117 : vector<1x128x1xi32> to vector<128x1xi32>
    %swap3A_119 = vector.shape_cast %add3A_113 : vector<128x1xi32> to vector<1x128x1xi32>
    tpu.vector_store %arg4[%swap3A_114, %swap3A_115, %swap3A_116], %swap3A_119 {strides = array<i32>} : memref<1x128x24xi32, #tpu.memory_space<vmem>>, vector<1x128x1xi32>,
    %eq3A_120 = vector.broadcast %broadcast_in_dim3A_111 : vector<128x1xi32> to vector<128x8192xi32>
    %eq3A_121 = arith.cmpi eq, %iota3A, %eq3A_120 : vector<128x8192xi32>
    %jit3A_122 = arith.constant 3.000000e+38 : f32
    %broadcast_in_dim3A_123 = vector.broadcast %jit3A_122 : f32 to vector<128x8192xf32>
    %select_n3A_124 = arith.select %eq3A_121, %broadcast_in_dim3A_123, %select_n3A_100 : vector<128x8192xi1>, vector<128x8192xf32>
    %reduce_min3A_125 = arith.constant dense<0x7F800000> : vector<128xf32>
    %reduce_min3A_126 = vector.multi_reduction <minimumf>, %select_n3A_124, %reduce_min3A_125 [1] : vector<128x8192xf32> to vector<128xf32>
    %broadcast_in_dim3A_127 = vector.shape_cast %reduce_min3A_126 : vector<128xf32> to vector<128x1xf32>
    %eq3A_128 = vector.broadcast %broadcast_in_dim3A_127 : vector<128x1xf32> to vector<128x8192xf32>
    %eq3A_129 = arith.cmpf oeq, %select_n3A_124, %eq3A_128 : vector<128x8192xf32>
    %jit3A_130 = arith.constant 1073741824 : i32
    %broadcast_in_dim3A_131 = vector.broadcast %jit3A_130 : i32 to vector<128x8192xi32>
    %select_n3A_132 = arith.select %eq3A_129, %iota3A, %broadcast_in_dim3A_131 : vector<128x8192xi1>, vector<128x8192xi32>
    %reduce_min3A_133 = arith.constant dense<2147483647> : vector<128xi32>
    %reduce_min3A_134 = vector.multi_reduction <minsi>, %select_n3A_132, %reduce_min3A_133 [1] : vector<128x8192xi32> to vector<128xi32>
    %broadcast_in_dim3A_135 = vector.shape_cast %reduce_min3A_134 : vector<128xi32> to vector<128x1xi32>
    %add3A_136 = vector.broadcast %mul3A_58 : i32 to vector<128x1xi32>
    %add3A_137 = arith.addi %broadcast_in_dim3A_135, %add3A_136 : vector<128x1xi32>
    %swap3A_138 = arith.constant 0 : index
    %swap3A_139 = arith.constant 0 : index
    %swap3A_140 = arith.constant 3 : index
    %swap3A_141 = vector.load %arg4[%swap3A_138, %swap3A_139, %swap3A_140] : memref<1x128x24xi32, #tpu.memory_space<vmem>>, vector<1x128x1xi32>
    %swap3A_142 = vector.shape_cast %swap3A_141 : vector<1x128x1xi32> to vector<128x1xi32>
    %swap3A_143 = vector.shape_cast %add3A_137 : vector<128x1xi32> to vector<1x128x1xi32>
    tpu.vector_store %arg4[%swap3A_138, %swap3A_139, %swap3A_140], %swap3A_143 {strides = array<i32>} : memref<1x128x24xi32, #tpu.memory_space<vmem>>, vector<1x128x1xi32>,
    %eq3A_144 = vector.broadcast %broadcast_in_dim3A_135 : vector<128x1xi32> to vector<128x8192xi32>
    %eq3A_145 = arith.cmpi eq, %iota3A, %eq3A_144 : vector<128x8192xi32>
    %jit3A_146 = arith.constant 3.000000e+38 : f32
    %broadcast_in_dim3A_147 = vector.broadcast %jit3A_146 : f32 to vector<128x8192xf32>
    %select_n3A_148 = arith.select %eq3A_145, %broadcast_in_dim3A_147, %select_n3A_124 : vector<128x8192xi1>, vector<128x8192xf32>
    %reduce_min3A_149 = arith.constant dense<0x7F800000> : vector<128xf32>
    %reduce_min3A_150 = vector.multi_reduction <minimumf>, %select_n3A_148, %reduce_min3A_149 [1] : vector<128x8192xf32> to vector<128xf32>
    %broadcast_in_dim3A_151 = vector.shape_cast %reduce_min3A_150 : vector<128xf32> to vector<128x1xf32>
    %eq3A_152 = vector.broadcast %broadcast_in_dim3A_151 : vector<128x1xf32> to vector<128x8192xf32>
    %eq3A_153 = arith.cmpf oeq, %select_n3A_148, %eq3A_152 : vector<128x8192xf32>
    %jit3A_154 = arith.constant 1073741824 : i32
    %broadcast_in_dim3A_155 = vector.broadcast %jit3A_154 : i32 to vector<128x8192xi32>
    %select_n3A_156 = arith.select %eq3A_153, %iota3A, %broadcast_in_dim3A_155 : vector<128x8192xi1>, vector<128x8192xi32>
    %reduce_min3A_157 = arith.constant dense<2147483647> : vector<128xi32>
    %reduce_min3A_158 = vector.multi_reduction <minsi>, %select_n3A_156, %reduce_min3A_157 [1] : vector<128x8192xi32> to vector<128xi32>
    %broadcast_in_dim3A_159 = vector.shape_cast %reduce_min3A_158 : vector<128xi32> to vector<128x1xi32>
    %add3A_160 = vector.broadcast %mul3A_58 : i32 to vector<128x1xi32>
    %add3A_161 = arith.addi %broadcast_in_dim3A_159, %add3A_160 : vector<128x1xi32>
    %swap3A_162 = arith.constant 0 : index
    %swap3A_163 = arith.constant 0 : index
    %swap3A_164 = arith.constant 4 : index
    %swap3A_165 = vector.load %arg4[%swap3A_162, %swap3A_163, %swap3A_164] : memref<1x128x24xi32, #tpu.memory_space<vmem>>, vector<1x128x1xi32>
    %swap3A_166 = vector.shape_cast %swap3A_165 : vector<1x128x1xi32> to vector<128x1xi32>
    %swap3A_167 = vector.shape_cast %add3A_161 : vector<128x1xi32> to vector<1x128x1xi32>
    tpu.vector_store %arg4[%swap3A_162, %swap3A_163, %swap3A_164], %swap3A_167 {strides = array<i32>} : memref<1x128x24xi32, #tpu.memory_space<vmem>>, vector<1x128x1xi32>,
    %eq3A_168 = vector.broadcast %broadcast_in_dim3A_159 : vector<128x1xi32> to vector<128x8192xi32>
    %eq3A_169 = arith.cmpi eq, %iota3A, %eq3A_168 : vector<128x8192xi32>
    %jit3A_170 = arith.constant 3.000000e+38 : f32
    %broadcast_in_dim3A_171 = vector.broadcast %jit3A_170 : f32 to vector<128x8192xf32>
    %select_n3A_172 = arith.select %eq3A_169, %broadcast_in_dim3A_171, %select_n3A_148 : vector<128x8192xi1>, vector<128x8192xf32>
    %reduce_min3A_173 = arith.constant dense<0x7F800000> : vector<128xf32>
    %reduce_min3A_174 = vector.multi_reduction <minimumf>, %select_n3A_172, %reduce_min3A_173 [1] : vector<128x8192xf32> to vector<128xf32>
    %broadcast_in_dim3A_175 = vector.shape_cast %reduce_min3A_174 : vector<128xf32> to vector<128x1xf32>
    %eq3A_176 = vector.broadcast %broadcast_in_dim3A_175 : vector<128x1xf32> to vector<128x8192xf32>
    %eq3A_177 = arith.cmpf oeq, %select_n3A_172, %eq3A_176 : vector<128x8192xf32>
    %jit3A_178 = arith.constant 1073741824 : i32
    %broadcast_in_dim3A_179 = vector.broadcast %jit3A_178 : i32 to vector<128x8192xi32>
    %select_n3A_180 = arith.select %eq3A_177, %iota3A, %broadcast_in_dim3A_179 : vector<128x8192xi1>, vector<128x8192xi32>
    %reduce_min3A_181 = arith.constant dense<2147483647> : vector<128xi32>
    %reduce_min3A_182 = vector.multi_reduction <minsi>, %select_n3A_180, %reduce_min3A_181 [1] : vector<128x8192xi32> to vector<128xi32>
    %broadcast_in_dim3A_183 = vector.shape_cast %reduce_min3A_182 : vector<128xi32> to vector<128x1xi32>
    %add3A_184 = vector.broadcast %mul3A_58 : i32 to vector<128x1xi32>
    %add3A_185 = arith.addi %broadcast_in_dim3A_183, %add3A_184 : vector<128x1xi32>
    %swap3A_186 = arith.constant 0 : index
    %swap3A_187 = arith.constant 0 : index
    %swap3A_188 = arith.constant 5 : index
    %swap3A_189 = vector.load %arg4[%swap3A_186, %swap3A_187, %swap3A_188] : memref<1x128x24xi32, #tpu.memory_space<vmem>>, vector<1x128x1xi32>
    %swap3A_190 = vector.shape_cast %swap3A_189 : vector<1x128x1xi32> to vector<128x1xi32>
    %swap3A_191 = vector.shape_cast %add3A_185 : vector<128x1xi32> to vector<1x128x1xi32>
    tpu.vector_store %arg4[%swap3A_186, %swap3A_187, %swap3A_188], %swap3A_191 {strides = array<i32>} : memref<1x128x24xi32, #tpu.memory_space<vmem>>, vector<1x128x1xi32>,
    %eq3A_192 = vector.broadcast %broadcast_in_dim3A_183 : vector<128x1xi32> to vector<128x8192xi32>
    %eq3A_193 = arith.cmpi eq, %iota3A, %eq3A_192 : vector<128x8192xi32>
    %jit3A_194 = arith.constant 3.000000e+38 : f32
    %broadcast_in_dim3A_195 = vector.broadcast %jit3A_194 : f32 to vector<128x8192xf32>
    %select_n3A_196 = arith.select %eq3A_193, %broadcast_in_dim3A_195, %select_n3A_172 : vector<128x8192xi1>, vector<128x8192xf32>
    %reduce_min3A_197 = arith.constant dense<0x7F800000> : vector<128xf32>
    %reduce_min3A_198 = vector.multi_reduction <minimumf>, %select_n3A_196, %reduce_min3A_197 [1] : vector<128x8192xf32> to vector<128xf32>
    %broadcast_in_dim3A_199 = vector.shape_cast %reduce_min3A_198 : vector<128xf32> to vector<128x1xf32>
    %eq3A_200 = vector.broadcast %broadcast_in_dim3A_199 : vector<128x1xf32> to vector<128x8192xf32>
    %eq3A_201 = arith.cmpf oeq, %select_n3A_196, %eq3A_200 : vector<128x8192xf32>
    %jit3A_202 = arith.constant 1073741824 : i32
    %broadcast_in_dim3A_203 = vector.broadcast %jit3A_202 : i32 to vector<128x8192xi32>
    %select_n3A_204 = arith.select %eq3A_201, %iota3A, %broadcast_in_dim3A_203 : vector<128x8192xi1>, vector<128x8192xi32>
    %reduce_min3A_205 = arith.constant dense<2147483647> : vector<128xi32>
    %reduce_min3A_206 = vector.multi_reduction <minsi>, %select_n3A_204, %reduce_min3A_205 [1] : vector<128x8192xi32> to vector<128xi32>
    %broadcast_in_dim3A_207 = vector.shape_cast %reduce_min3A_206 : vector<128xi32> to vector<128x1xi32>
    %add3A_208 = vector.broadcast %mul3A_58 : i32 to vector<128x1xi32>
    %add3A_209 = arith.addi %broadcast_in_dim3A_207, %add3A_208 : vector<128x1xi32>
    %swap3A_210 = arith.constant 0 : index
    %swap3A_211 = arith.constant 0 : index
    %swap3A_212 = arith.constant 6 : index
    %swap3A_213 = vector.load %arg4[%swap3A_210, %swap3A_211, %swap3A_212] : memref<1x128x24xi32, #tpu.memory_space<vmem>>, vector<1x128x1xi32>
    %swap3A_214 = vector.shape_cast %swap3A_213 : vector<1x128x1xi32> to vector<128x1xi32>
    %swap3A_215 = vector.shape_cast %add3A_209 : vector<128x1xi32> to vector<1x128x1xi32>
    tpu.vector_store %arg4[%swap3A_210, %swap3A_211, %swap3A_212], %swap3A_215 {strides = array<i32>} : memref<1x128x24xi32, #tpu.memory_space<vmem>>, vector<1x128x1xi32>,
    %eq3A_216 = vector.broadcast %broadcast_in_dim3A_207 : vector<128x1xi32> to vector<128x8192xi32>
    %eq3A_217 = arith.cmpi eq, %iota3A, %eq3A_216 : vector<128x8192xi32>
    %jit3A_218 = arith.constant 3.000000e+38 : f32
    %broadcast_in_dim3A_219 = vector.broadcast %jit3A_218 : f32 to vector<128x8192xf32>
    %select_n3A_220 = arith.select %eq3A_217, %broadcast_in_dim3A_219, %select_n3A_196 : vector<128x8192xi1>, vector<128x8192xf32>
    %reduce_min3A_221 = arith.constant dense<0x7F800000> : vector<128xf32>
    %reduce_min3A_222 = vector.multi_reduction <minimumf>, %select_n3A_220, %reduce_min3A_221 [1] : vector<128x8192xf32> to vector<128xf32>
    %broadcast_in_dim3A_223 = vector.shape_cast %reduce_min3A_222 : vector<128xf32> to vector<128x1xf32>
    %eq3A_224 = vector.broadcast %broadcast_in_dim3A_223 : vector<128x1xf32> to vector<128x8192xf32>
    %eq3A_225 = arith.cmpf oeq, %select_n3A_220, %eq3A_224 : vector<128x8192xf32>
    %jit3A_226 = arith.constant 1073741824 : i32
    %broadcast_in_dim3A_227 = vector.broadcast %jit3A_226 : i32 to vector<128x8192xi32>
    %select_n3A_228 = arith.select %eq3A_225, %iota3A, %broadcast_in_dim3A_227 : vector<128x8192xi1>, vector<128x8192xi32>
    %reduce_min3A_229 = arith.constant dense<2147483647> : vector<128xi32>
    %reduce_min3A_230 = vector.multi_reduction <minsi>, %select_n3A_228, %reduce_min3A_229 [1] : vector<128x8192xi32> to vector<128xi32>
    %broadcast_in_dim3A_231 = vector.shape_cast %reduce_min3A_230 : vector<128xi32> to vector<128x1xi32>
    %add3A_232 = vector.broadcast %mul3A_58 : i32 to vector<128x1xi32>
    %add3A_233 = arith.addi %broadcast_in_dim3A_231, %add3A_232 : vector<128x1xi32>
    %swap3A_234 = arith.constant 0 : index
    %swap3A_235 = arith.constant 0 : index
    %swap3A_236 = arith.constant 7 : index
    %swap3A_237 = vector.load %arg4[%swap3A_234, %swap3A_235, %swap3A_236] : memref<1x128x24xi32, #tpu.memory_space<vmem>>, vector<1x128x1xi32>
    %swap3A_238 = vector.shape_cast %swap3A_237 : vector<1x128x1xi32> to vector<128x1xi32>
    %swap3A_239 = vector.shape_cast %add3A_233 : vector<128x1xi32> to vector<1x128x1xi32>
    tpu.vector_store %arg4[%swap3A_234, %swap3A_235, %swap3A_236], %swap3A_239 {strides = array<i32>} : memref<1x128x24xi32, #tpu.memory_space<vmem>>, vector<1x128x1xi32>,
    %eq3A_240 = vector.broadcast %broadcast_in_dim3A_231 : vector<128x1xi32> to vector<128x8192xi32>
    %eq3A_241 = arith.cmpi eq, %iota3A, %eq3A_240 : vector<128x8192xi32>
    %jit3A_242 = arith.constant 3.000000e+38 : f32
    %broadcast_in_dim3A_243 = vector.broadcast %jit3A_242 : f32 to vector<128x8192xf32>
    %select_n3A_244 = arith.select %eq3A_241, %broadcast_in_dim3A_243, %select_n3A_220 : vector<128x8192xi1>, vector<128x8192xf32>
    %reduce_min3A_245 = arith.constant dense<0x7F800000> : vector<128xf32>
    %reduce_min3A_246 = vector.multi_reduction <minimumf>, %select_n3A_244, %reduce_min3A_245 [1] : vector<128x8192xf32> to vector<128xf32>
    %broadcast_in_dim3A_247 = vector.shape_cast %reduce_min3A_246 : vector<128xf32> to vector<128x1xf32>
    %eq3A_248 = vector.broadcast %broadcast_in_dim3A_247 : vector<128x1xf32> to vector<128x8192xf32>
    %eq3A_249 = arith.cmpf oeq, %select_n3A_244, %eq3A_248 : vector<128x8192xf32>
    %jit3A_250 = arith.constant 1073741824 : i32
    %broadcast_in_dim3A_251 = vector.broadcast %jit3A_250 : i32 to vector<128x8192xi32>
    %select_n3A_252 = arith.select %eq3A_249, %iota3A, %broadcast_in_dim3A_251 : vector<128x8192xi1>, vector<128x8192xi32>
    %reduce_min3A_253 = arith.constant dense<2147483647> : vector<128xi32>
    %reduce_min3A_254 = vector.multi_reduction <minsi>, %select_n3A_252, %reduce_min3A_253 [1] : vector<128x8192xi32> to vector<128xi32>
    %broadcast_in_dim3A_255 = vector.shape_cast %reduce_min3A_254 : vector<128xi32> to vector<128x1xi32>
    %add3A_256 = vector.broadcast %mul3A_58 : i32 to vector<128x1xi32>
    %add3A_257 = arith.addi %broadcast_in_dim3A_255, %add3A_256 : vector<128x1xi32>
    %swap3A_258 = arith.constant 0 : index
    %swap3A_259 = arith.constant 0 : index
    %swap3A_260 = arith.constant 8 : index
    %swap3A_261 = vector.load %arg4[%swap3A_258, %swap3A_259, %swap3A_260] : memref<1x128x24xi32, #tpu.memory_space<vmem>>, vector<1x128x1xi32>
    %swap3A_262 = vector.shape_cast %swap3A_261 : vector<1x128x1xi32> to vector<128x1xi32>
    %swap3A_263 = vector.shape_cast %add3A_257 : vector<128x1xi32> to vector<1x128x1xi32>
    tpu.vector_store %arg4[%swap3A_258, %swap3A_259, %swap3A_260], %swap3A_263 {strides = array<i32>} : memref<1x128x24xi32, #tpu.memory_space<vmem>>, vector<1x128x1xi32>,
    %eq3A_264 = vector.broadcast %broadcast_in_dim3A_255 : vector<128x1xi32> to vector<128x8192xi32>
    %eq3A_265 = arith.cmpi eq, %iota3A, %eq3A_264 : vector<128x8192xi32>
    %jit3A_266 = arith.constant 3.000000e+38 : f32
    %broadcast_in_dim3A_267 = vector.broadcast %jit3A_266 : f32 to vector<128x8192xf32>
    %select_n3A_268 = arith.select %eq3A_265, %broadcast_in_dim3A_267, %select_n3A_244 : vector<128x8192xi1>, vector<128x8192xf32>
    %reduce_min3A_269 = arith.constant dense<0x7F800000> : vector<128xf32>
    %reduce_min3A_270 = vector.multi_reduction <minimumf>, %select_n3A_268, %reduce_min3A_269 [1] : vector<128x8192xf32> to vector<128xf32>
    %broadcast_in_dim3A_271 = vector.shape_cast %reduce_min3A_270 : vector<128xf32> to vector<128x1xf32>
    %eq3A_272 = vector.broadcast %broadcast_in_dim3A_271 : vector<128x1xf32> to vector<128x8192xf32>
    %eq3A_273 = arith.cmpf oeq, %select_n3A_268, %eq3A_272 : vector<128x8192xf32>
    %jit3A_274 = arith.constant 1073741824 : i32
    %broadcast_in_dim3A_275 = vector.broadcast %jit3A_274 : i32 to vector<128x8192xi32>
    %select_n3A_276 = arith.select %eq3A_273, %iota3A, %broadcast_in_dim3A_275 : vector<128x8192xi1>, vector<128x8192xi32>
    %reduce_min3A_277 = arith.constant dense<2147483647> : vector<128xi32>
    %reduce_min3A_278 = vector.multi_reduction <minsi>, %select_n3A_276, %reduce_min3A_277 [1] : vector<128x8192xi32> to vector<128xi32>
    %broadcast_in_dim3A_279 = vector.shape_cast %reduce_min3A_278 : vector<128xi32> to vector<128x1xi32>
    %add3A_280 = vector.broadcast %mul3A_58 : i32 to vector<128x1xi32>
    %add3A_281 = arith.addi %broadcast_in_dim3A_279, %add3A_280 : vector<128x1xi32>
    %swap3A_282 = arith.constant 0 : index
    %swap3A_283 = arith.constant 0 : index
    %swap3A_284 = arith.constant 9 : index
    %swap3A_285 = vector.load %arg4[%swap3A_282, %swap3A_283, %swap3A_284] : memref<1x128x24xi32, #tpu.memory_space<vmem>>, vector<1x128x1xi32>
    %swap3A_286 = vector.shape_cast %swap3A_285 : vector<1x128x1xi32> to vector<128x1xi32>
    %swap3A_287 = vector.shape_cast %add3A_281 : vector<128x1xi32> to vector<1x128x1xi32>
    tpu.vector_store %arg4[%swap3A_282, %swap3A_283, %swap3A_284], %swap3A_287 {strides = array<i32>} : memref<1x128x24xi32, #tpu.memory_space<vmem>>, vector<1x128x1xi32>,
    %eq3A_288 = vector.broadcast %broadcast_in_dim3A_279 : vector<128x1xi32> to vector<128x8192xi32>
    %eq3A_289 = arith.cmpi eq, %iota3A, %eq3A_288 : vector<128x8192xi32>
    %jit3A_290 = arith.constant 3.000000e+38 : f32
    %broadcast_in_dim3A_291 = vector.broadcast %jit3A_290 : f32 to vector<128x8192xf32>
    %select_n3A_292 = arith.select %eq3A_289, %broadcast_in_dim3A_291, %select_n3A_268 : vector<128x8192xi1>, vector<128x8192xf32>
    %reduce_min3A_293 = arith.constant dense<0x7F800000> : vector<128xf32>
    %reduce_min3A_294 = vector.multi_reduction <minimumf>, %select_n3A_292, %reduce_min3A_293 [1] : vector<128x8192xf32> to vector<128xf32>
    %broadcast_in_dim3A_295 = vector.shape_cast %reduce_min3A_294 : vector<128xf32> to vector<128x1xf32>
    %eq3A_296 = vector.broadcast %broadcast_in_dim3A_295 : vector<128x1xf32> to vector<128x8192xf32>
    %eq3A_297 = arith.cmpf oeq, %select_n3A_292, %eq3A_296 : vector<128x8192xf32>
    %jit3A_298 = arith.constant 1073741824 : i32
    %broadcast_in_dim3A_299 = vector.broadcast %jit3A_298 : i32 to vector<128x8192xi32>
    %select_n3A_300 = arith.select %eq3A_297, %iota3A, %broadcast_in_dim3A_299 : vector<128x8192xi1>, vector<128x8192xi32>
    %reduce_min3A_301 = arith.constant dense<2147483647> : vector<128xi32>
    %reduce_min3A_302 = vector.multi_reduction <minsi>, %select_n3A_300, %reduce_min3A_301 [1] : vector<128x8192xi32> to vector<128xi32>
    %broadcast_in_dim3A_303 = vector.shape_cast %reduce_min3A_302 : vector<128xi32> to vector<128x1xi32>
    %add3A_304 = vector.broadcast %mul3A_58 : i32 to vector<128x1xi32>
    %add3A_305 = arith.addi %broadcast_in_dim3A_303, %add3A_304 : vector<128x1xi32>
    %swap3A_306 = arith.constant 0 : index
    %swap3A_307 = arith.constant 0 : index
    %swap3A_308 = arith.constant 10 : index
    %swap3A_309 = vector.load %arg4[%swap3A_306, %swap3A_307, %swap3A_308] : memref<1x128x24xi32, #tpu.memory_space<vmem>>, vector<1x128x1xi32>
    %swap3A_310 = vector.shape_cast %swap3A_309 : vector<1x128x1xi32> to vector<128x1xi32>
    %swap3A_311 = vector.shape_cast %add3A_305 : vector<128x1xi32> to vector<1x128x1xi32>
    tpu.vector_store %arg4[%swap3A_306, %swap3A_307, %swap3A_308], %swap3A_311 {strides = array<i32>} : memref<1x128x24xi32, #tpu.memory_space<vmem>>, vector<1x128x1xi32>,
    %eq3A_312 = vector.broadcast %broadcast_in_dim3A_303 : vector<128x1xi32> to vector<128x8192xi32>
    %eq3A_313 = arith.cmpi eq, %iota3A, %eq3A_312 : vector<128x8192xi32>
    %jit3A_314 = arith.constant 3.000000e+38 : f32
    %broadcast_in_dim3A_315 = vector.broadcast %jit3A_314 : f32 to vector<128x8192xf32>
    %select_n3A_316 = arith.select %eq3A_313, %broadcast_in_dim3A_315, %select_n3A_292 : vector<128x8192xi1>, vector<128x8192xf32>
    %reduce_min3A_317 = arith.constant dense<0x7F800000> : vector<128xf32>
    %reduce_min3A_318 = vector.multi_reduction <minimumf>, %select_n3A_316, %reduce_min3A_317 [1] : vector<128x8192xf32> to vector<128xf32>
    %broadcast_in_dim3A_319 = vector.shape_cast %reduce_min3A_318 : vector<128xf32> to vector<128x1xf32>
    %eq3A_320 = vector.broadcast %broadcast_in_dim3A_319 : vector<128x1xf32> to vector<128x8192xf32>
    %eq3A_321 = arith.cmpf oeq, %select_n3A_316, %eq3A_320 : vector<128x8192xf32>
    %jit3A_322 = arith.constant 1073741824 : i32
    %broadcast_in_dim3A_323 = vector.broadcast %jit3A_322 : i32 to vector<128x8192xi32>
    %select_n3A_324 = arith.select %eq3A_321, %iota3A, %broadcast_in_dim3A_323 : vector<128x8192xi1>, vector<128x8192xi32>
    %reduce_min3A_325 = arith.constant dense<2147483647> : vector<128xi32>
    %reduce_min3A_326 = vector.multi_reduction <minsi>, %select_n3A_324, %reduce_min3A_325 [1] : vector<128x8192xi32> to vector<128xi32>
    %broadcast_in_dim3A_327 = vector.shape_cast %reduce_min3A_326 : vector<128xi32> to vector<128x1xi32>
    %add3A_328 = vector.broadcast %mul3A_58 : i32 to vector<128x1xi32>
    %add3A_329 = arith.addi %broadcast_in_dim3A_327, %add3A_328 : vector<128x1xi32>
    %swap3A_330 = arith.constant 0 : index
    %swap3A_331 = arith.constant 0 : index
    %swap3A_332 = arith.constant 11 : index
    %swap3A_333 = vector.load %arg4[%swap3A_330, %swap3A_331, %swap3A_332] : memref<1x128x24xi32, #tpu.memory_space<vmem>>, vector<1x128x1xi32>
    %swap3A_334 = vector.shape_cast %swap3A_333 : vector<1x128x1xi32> to vector<128x1xi32>
    %swap3A_335 = vector.shape_cast %add3A_329 : vector<128x1xi32> to vector<1x128x1xi32>
    tpu.vector_store %arg4[%swap3A_330, %swap3A_331, %swap3A_332], %swap3A_335 {strides = array<i32>} : memref<1x128x24xi32, #tpu.memory_space<vmem>>, vector<1x128x1xi32>,
    %eq3A_336 = vector.broadcast %broadcast_in_dim3A_327 : vector<128x1xi32> to vector<128x8192xi32>
    %eq3A_337 = arith.cmpi eq, %iota3A, %eq3A_336 : vector<128x8192xi32>
    %jit3A_338 = arith.constant 3.000000e+38 : f32
    %broadcast_in_dim3A_339 = vector.broadcast %jit3A_338 : f32 to vector<128x8192xf32>
    %select_n3A_340 = arith.select %eq3A_337, %broadcast_in_dim3A_339, %select_n3A_316 : vector<128x8192xi1>, vector<128x8192xf32>
    %reduce_min3A_341 = arith.constant dense<0x7F800000> : vector<128xf32>
    %reduce_min3A_342 = vector.multi_reduction <minimumf>, %select_n3A_340, %reduce_min3A_341 [1] : vector<128x8192xf32> to vector<128xf32>
    %broadcast_in_dim3A_343 = vector.shape_cast %reduce_min3A_342 : vector<128xf32> to vector<128x1xf32>
    %eq3A_344 = vector.broadcast %broadcast_in_dim3A_343 : vector<128x1xf32> to vector<128x8192xf32>
    %eq3A_345 = arith.cmpf oeq, %select_n3A_340, %eq3A_344 : vector<128x8192xf32>
    %jit3A_346 = arith.constant 1073741824 : i32
    %broadcast_in_dim3A_347 = vector.broadcast %jit3A_346 : i32 to vector<128x8192xi32>
    %select_n3A_348 = arith.select %eq3A_345, %iota3A, %broadcast_in_dim3A_347 : vector<128x8192xi1>, vector<128x8192xi32>
    %reduce_min3A_349 = arith.constant dense<2147483647> : vector<128xi32>
    %reduce_min3A_350 = vector.multi_reduction <minsi>, %select_n3A_348, %reduce_min3A_349 [1] : vector<128x8192xi32> to vector<128xi32>
    %broadcast_in_dim3A_351 = vector.shape_cast %reduce_min3A_350 : vector<128xi32> to vector<128x1xi32>
    %add3A_352 = vector.broadcast %mul3A_58 : i32 to vector<128x1xi32>
    %add3A_353 = arith.addi %broadcast_in_dim3A_351, %add3A_352 : vector<128x1xi32>
    %swap3A_354 = arith.constant 0 : index
    %swap3A_355 = arith.constant 0 : index
    %swap3A_356 = arith.constant 12 : index
    %swap3A_357 = vector.load %arg4[%swap3A_354, %swap3A_355, %swap3A_356] : memref<1x128x24xi32, #tpu.memory_space<vmem>>, vector<1x128x1xi32>
    %swap3A_358 = vector.shape_cast %swap3A_357 : vector<1x128x1xi32> to vector<128x1xi32>
    %swap3A_359 = vector.shape_cast %add3A_353 : vector<128x1xi32> to vector<1x128x1xi32>
    tpu.vector_store %arg4[%swap3A_354, %swap3A_355, %swap3A_356], %swap3A_359 {strides = array<i32>} : memref<1x128x24xi32, #tpu.memory_space<vmem>>, vector<1x128x1xi32>,
    %eq3A_360 = vector.broadcast %broadcast_in_dim3A_351 : vector<128x1xi32> to vector<128x8192xi32>
    %eq3A_361 = arith.cmpi eq, %iota3A, %eq3A_360 : vector<128x8192xi32>
    %jit3A_362 = arith.constant 3.000000e+38 : f32
    %broadcast_in_dim3A_363 = vector.broadcast %jit3A_362 : f32 to vector<128x8192xf32>
    %select_n3A_364 = arith.select %eq3A_361, %broadcast_in_dim3A_363, %select_n3A_340 : vector<128x8192xi1>, vector<128x8192xf32>
    %reduce_min3A_365 = arith.constant dense<0x7F800000> : vector<128xf32>
    %reduce_min3A_366 = vector.multi_reduction <minimumf>, %select_n3A_364, %reduce_min3A_365 [1] : vector<128x8192xf32> to vector<128xf32>
    %broadcast_in_dim3A_367 = vector.shape_cast %reduce_min3A_366 : vector<128xf32> to vector<128x1xf32>
    %eq3A_368 = vector.broadcast %broadcast_in_dim3A_367 : vector<128x1xf32> to vector<128x8192xf32>
    %eq3A_369 = arith.cmpf oeq, %select_n3A_364, %eq3A_368 : vector<128x8192xf32>
    %jit3A_370 = arith.constant 1073741824 : i32
    %broadcast_in_dim3A_371 = vector.broadcast %jit3A_370 : i32 to vector<128x8192xi32>
    %select_n3A_372 = arith.select %eq3A_369, %iota3A, %broadcast_in_dim3A_371 : vector<128x8192xi1>, vector<128x8192xi32>
    %reduce_min3A_373 = arith.constant dense<2147483647> : vector<128xi32>
    %reduce_min3A_374 = vector.multi_reduction <minsi>, %select_n3A_372, %reduce_min3A_373 [1] : vector<128x8192xi32> to vector<128xi32>
    %broadcast_in_dim3A_375 = vector.shape_cast %reduce_min3A_374 : vector<128xi32> to vector<128x1xi32>
    %add3A_376 = vector.broadcast %mul3A_58 : i32 to vector<128x1xi32>
    %add3A_377 = arith.addi %broadcast_in_dim3A_375, %add3A_376 : vector<128x1xi32>
    %swap3A_378 = arith.constant 0 : index
    %swap3A_379 = arith.constant 0 : index
    %swap3A_380 = arith.constant 13 : index
    %swap3A_381 = vector.load %arg4[%swap3A_378, %swap3A_379, %swap3A_380] : memref<1x128x24xi32, #tpu.memory_space<vmem>>, vector<1x128x1xi32>
    %swap3A_382 = vector.shape_cast %swap3A_381 : vector<1x128x1xi32> to vector<128x1xi32>
    %swap3A_383 = vector.shape_cast %add3A_377 : vector<128x1xi32> to vector<1x128x1xi32>
    tpu.vector_store %arg4[%swap3A_378, %swap3A_379, %swap3A_380], %swap3A_383 {strides = array<i32>} : memref<1x128x24xi32, #tpu.memory_space<vmem>>, vector<1x128x1xi32>,
    %eq3A_384 = vector.broadcast %broadcast_in_dim3A_375 : vector<128x1xi32> to vector<128x8192xi32>
    %eq3A_385 = arith.cmpi eq, %iota3A, %eq3A_384 : vector<128x8192xi32>
    %jit3A_386 = arith.constant 3.000000e+38 : f32
    %broadcast_in_dim3A_387 = vector.broadcast %jit3A_386 : f32 to vector<128x8192xf32>
    %select_n3A_388 = arith.select %eq3A_385, %broadcast_in_dim3A_387, %select_n3A_364 : vector<128x8192xi1>, vector<128x8192xf32>
    %reduce_min3A_389 = arith.constant dense<0x7F800000> : vector<128xf32>
    %reduce_min3A_390 = vector.multi_reduction <minimumf>, %select_n3A_388, %reduce_min3A_389 [1] : vector<128x8192xf32> to vector<128xf32>
    %broadcast_in_dim3A_391 = vector.shape_cast %reduce_min3A_390 : vector<128xf32> to vector<128x1xf32>
    %eq3A_392 = vector.broadcast %broadcast_in_dim3A_391 : vector<128x1xf32> to vector<128x8192xf32>
    %eq3A_393 = arith.cmpf oeq, %select_n3A_388, %eq3A_392 : vector<128x8192xf32>
    %jit3A_394 = arith.constant 1073741824 : i32
    %broadcast_in_dim3A_395 = vector.broadcast %jit3A_394 : i32 to vector<128x8192xi32>
    %select_n3A_396 = arith.select %eq3A_393, %iota3A, %broadcast_in_dim3A_395 : vector<128x8192xi1>, vector<128x8192xi32>
    %reduce_min3A_397 = arith.constant dense<2147483647> : vector<128xi32>
    %reduce_min3A_398 = vector.multi_reduction <minsi>, %select_n3A_396, %reduce_min3A_397 [1] : vector<128x8192xi32> to vector<128xi32>
    %broadcast_in_dim3A_399 = vector.shape_cast %reduce_min3A_398 : vector<128xi32> to vector<128x1xi32>
    %add3A_400 = vector.broadcast %mul3A_58 : i32 to vector<128x1xi32>
    %add3A_401 = arith.addi %broadcast_in_dim3A_399, %add3A_400 : vector<128x1xi32>
    %swap3A_402 = arith.constant 0 : index
    %swap3A_403 = arith.constant 0 : index
    %swap3A_404 = arith.constant 14 : index
    %swap3A_405 = vector.load %arg4[%swap3A_402, %swap3A_403, %swap3A_404] : memref<1x128x24xi32, #tpu.memory_space<vmem>>, vector<1x128x1xi32>
    %swap3A_406 = vector.shape_cast %swap3A_405 : vector<1x128x1xi32> to vector<128x1xi32>
    %swap3A_407 = vector.shape_cast %add3A_401 : vector<128x1xi32> to vector<1x128x1xi32>
    tpu.vector_store %arg4[%swap3A_402, %swap3A_403, %swap3A_404], %swap3A_407 {strides = array<i32>} : memref<1x128x24xi32, #tpu.memory_space<vmem>>, vector<1x128x1xi32>,
    %eq3A_408 = vector.broadcast %broadcast_in_dim3A_399 : vector<128x1xi32> to vector<128x8192xi32>
    %eq3A_409 = arith.cmpi eq, %iota3A, %eq3A_408 : vector<128x8192xi32>
    %jit3A_410 = arith.constant 3.000000e+38 : f32
    %broadcast_in_dim3A_411 = vector.broadcast %jit3A_410 : f32 to vector<128x8192xf32>
    %select_n3A_412 = arith.select %eq3A_409, %broadcast_in_dim3A_411, %select_n3A_388 : vector<128x8192xi1>, vector<128x8192xf32>
    %reduce_min3A_413 = arith.constant dense<0x7F800000> : vector<128xf32>
    %reduce_min3A_414 = vector.multi_reduction <minimumf>, %select_n3A_412, %reduce_min3A_413 [1] : vector<128x8192xf32> to vector<128xf32>
    %broadcast_in_dim3A_415 = vector.shape_cast %reduce_min3A_414 : vector<128xf32> to vector<128x1xf32>
    %eq3A_416 = vector.broadcast %broadcast_in_dim3A_415 : vector<128x1xf32> to vector<128x8192xf32>
    %eq3A_417 = arith.cmpf oeq, %select_n3A_412, %eq3A_416 : vector<128x8192xf32>
    %jit3A_418 = arith.constant 1073741824 : i32
    %broadcast_in_dim3A_419 = vector.broadcast %jit3A_418 : i32 to vector<128x8192xi32>
    %select_n3A_420 = arith.select %eq3A_417, %iota3A, %broadcast_in_dim3A_419 : vector<128x8192xi1>, vector<128x8192xi32>
    %reduce_min3A_421 = arith.constant dense<2147483647> : vector<128xi32>
    %reduce_min3A_422 = vector.multi_reduction <minsi>, %select_n3A_420, %reduce_min3A_421 [1] : vector<128x8192xi32> to vector<128xi32>
    %broadcast_in_dim3A_423 = vector.shape_cast %reduce_min3A_422 : vector<128xi32> to vector<128x1xi32>
    %add3A_424 = vector.broadcast %mul3A_58 : i32 to vector<128x1xi32>
    %add3A_425 = arith.addi %broadcast_in_dim3A_423, %add3A_424 : vector<128x1xi32>
    %swap3A_426 = arith.constant 0 : index
    %swap3A_427 = arith.constant 0 : index
    %swap3A_428 = arith.constant 15 : index
    %swap3A_429 = vector.load %arg4[%swap3A_426, %swap3A_427, %swap3A_428] : memref<1x128x24xi32, #tpu.memory_space<vmem>>, vector<1x128x1xi32>
    %swap3A_430 = vector.shape_cast %swap3A_429 : vector<1x128x1xi32> to vector<128x1xi32>
    %swap3A_431 = vector.shape_cast %add3A_425 : vector<128x1xi32> to vector<1x128x1xi32>
    tpu.vector_store %arg4[%swap3A_426, %swap3A_427, %swap3A_428], %swap3A_431 {strides = array<i32>} : memref<1x128x24xi32, #tpu.memory_space<vmem>>, vector<1x128x1xi32>,
    %eq3A_432 = vector.broadcast %broadcast_in_dim3A_423 : vector<128x1xi32> to vector<128x8192xi32>
    %eq3A_433 = arith.cmpi eq, %iota3A, %eq3A_432 : vector<128x8192xi32>
    %jit3A_434 = arith.constant 3.000000e+38 : f32
    %broadcast_in_dim3A_435 = vector.broadcast %jit3A_434 : f32 to vector<128x8192xf32>
    %select_n3A_436 = arith.select %eq3A_433, %broadcast_in_dim3A_435, %select_n3A_412 : vector<128x8192xi1>, vector<128x8192xf32>
    %reduce_min3A_437 = arith.constant dense<0x7F800000> : vector<128xf32>
    %reduce_min3A_438 = vector.multi_reduction <minimumf>, %select_n3A_436, %reduce_min3A_437 [1] : vector<128x8192xf32> to vector<128xf32>
    %broadcast_in_dim3A_439 = vector.shape_cast %reduce_min3A_438 : vector<128xf32> to vector<128x1xf32>
    %eq3A_440 = vector.broadcast %broadcast_in_dim3A_439 : vector<128x1xf32> to vector<128x8192xf32>
    %eq3A_441 = arith.cmpf oeq, %select_n3A_436, %eq3A_440 : vector<128x8192xf32>
    %jit3A_442 = arith.constant 1073741824 : i32
    %broadcast_in_dim3A_443 = vector.broadcast %jit3A_442 : i32 to vector<128x8192xi32>
    %select_n3A_444 = arith.select %eq3A_441, %iota3A, %broadcast_in_dim3A_443 : vector<128x8192xi1>, vector<128x8192xi32>
    %reduce_min3A_445 = arith.constant dense<2147483647> : vector<128xi32>
    %reduce_min3A_446 = vector.multi_reduction <minsi>, %select_n3A_444, %reduce_min3A_445 [1] : vector<128x8192xi32> to vector<128xi32>
    %broadcast_in_dim3A_447 = vector.shape_cast %reduce_min3A_446 : vector<128xi32> to vector<128x1xi32>
    %add3A_448 = vector.broadcast %mul3A_58 : i32 to vector<128x1xi32>
    %add3A_449 = arith.addi %broadcast_in_dim3A_447, %add3A_448 : vector<128x1xi32>
    %swap3A_450 = arith.constant 0 : index
    %swap3A_451 = arith.constant 0 : index
    %swap3A_452 = arith.constant 16 : index
    %swap3A_453 = vector.load %arg4[%swap3A_450, %swap3A_451, %swap3A_452] : memref<1x128x24xi32, #tpu.memory_space<vmem>>, vector<1x128x1xi32>
    %swap3A_454 = vector.shape_cast %swap3A_453 : vector<1x128x1xi32> to vector<128x1xi32>
    %swap3A_455 = vector.shape_cast %add3A_449 : vector<128x1xi32> to vector<1x128x1xi32>
    tpu.vector_store %arg4[%swap3A_450, %swap3A_451, %swap3A_452], %swap3A_455 {strides = array<i32>} : memref<1x128x24xi32, #tpu.memory_space<vmem>>, vector<1x128x1xi32>,
    %eq3A_456 = vector.broadcast %broadcast_in_dim3A_447 : vector<128x1xi32> to vector<128x8192xi32>
    %eq3A_457 = arith.cmpi eq, %iota3A, %eq3A_456 : vector<128x8192xi32>
    %jit3A_458 = arith.constant 3.000000e+38 : f32
    %broadcast_in_dim3A_459 = vector.broadcast %jit3A_458 : f32 to vector<128x8192xf32>
    %select_n3A_460 = arith.select %eq3A_457, %broadcast_in_dim3A_459, %select_n3A_436 : vector<128x8192xi1>, vector<128x8192xf32>
    %reduce_min3A_461 = arith.constant dense<0x7F800000> : vector<128xf32>
    %reduce_min3A_462 = vector.multi_reduction <minimumf>, %select_n3A_460, %reduce_min3A_461 [1] : vector<128x8192xf32> to vector<128xf32>
    %broadcast_in_dim3A_463 = vector.shape_cast %reduce_min3A_462 : vector<128xf32> to vector<128x1xf32>
    %eq3A_464 = vector.broadcast %broadcast_in_dim3A_463 : vector<128x1xf32> to vector<128x8192xf32>
    %eq3A_465 = arith.cmpf oeq, %select_n3A_460, %eq3A_464 : vector<128x8192xf32>
    %jit3A_466 = arith.constant 1073741824 : i32
    %broadcast_in_dim3A_467 = vector.broadcast %jit3A_466 : i32 to vector<128x8192xi32>
    %select_n3A_468 = arith.select %eq3A_465, %iota3A, %broadcast_in_dim3A_467 : vector<128x8192xi1>, vector<128x8192xi32>
    %reduce_min3A_469 = arith.constant dense<2147483647> : vector<128xi32>
    %reduce_min3A_470 = vector.multi_reduction <minsi>, %select_n3A_468, %reduce_min3A_469 [1] : vector<128x8192xi32> to vector<128xi32>
    %broadcast_in_dim3A_471 = vector.shape_cast %reduce_min3A_470 : vector<128xi32> to vector<128x1xi32>
    %add3A_472 = vector.broadcast %mul3A_58 : i32 to vector<128x1xi32>
    %add3A_473 = arith.addi %broadcast_in_dim3A_471, %add3A_472 : vector<128x1xi32>
    %swap3A_474 = arith.constant 0 : index
    %swap3A_475 = arith.constant 0 : index
    %swap3A_476 = arith.constant 17 : index
    %swap3A_477 = vector.load %arg4[%swap3A_474, %swap3A_475, %swap3A_476] : memref<1x128x24xi32, #tpu.memory_space<vmem>>, vector<1x128x1xi32>
    %swap3A_478 = vector.shape_cast %swap3A_477 : vector<1x128x1xi32> to vector<128x1xi32>
    %swap3A_479 = vector.shape_cast %add3A_473 : vector<128x1xi32> to vector<1x128x1xi32>
    tpu.vector_store %arg4[%swap3A_474, %swap3A_475, %swap3A_476], %swap3A_479 {strides = array<i32>} : memref<1x128x24xi32, #tpu.memory_space<vmem>>, vector<1x128x1xi32>,
    %eq3A_480 = vector.broadcast %broadcast_in_dim3A_471 : vector<128x1xi32> to vector<128x8192xi32>
    %eq3A_481 = arith.cmpi eq, %iota3A, %eq3A_480 : vector<128x8192xi32>
    %jit3A_482 = arith.constant 3.000000e+38 : f32
    %broadcast_in_dim3A_483 = vector.broadcast %jit3A_482 : f32 to vector<128x8192xf32>
    %select_n3A_484 = arith.select %eq3A_481, %broadcast_in_dim3A_483, %select_n3A_460 : vector<128x8192xi1>, vector<128x8192xf32>
    %reduce_min3A_485 = arith.constant dense<0x7F800000> : vector<128xf32>
    %reduce_min3A_486 = vector.multi_reduction <minimumf>, %select_n3A_484, %reduce_min3A_485 [1] : vector<128x8192xf32> to vector<128xf32>
    %broadcast_in_dim3A_487 = vector.shape_cast %reduce_min3A_486 : vector<128xf32> to vector<128x1xf32>
    %eq3A_488 = vector.broadcast %broadcast_in_dim3A_487 : vector<128x1xf32> to vector<128x8192xf32>
    %eq3A_489 = arith.cmpf oeq, %select_n3A_484, %eq3A_488 : vector<128x8192xf32>
    %jit3A_490 = arith.constant 1073741824 : i32
    %broadcast_in_dim3A_491 = vector.broadcast %jit3A_490 : i32 to vector<128x8192xi32>
    %select_n3A_492 = arith.select %eq3A_489, %iota3A, %broadcast_in_dim3A_491 : vector<128x8192xi1>, vector<128x8192xi32>
    %reduce_min3A_493 = arith.constant dense<2147483647> : vector<128xi32>
    %reduce_min3A_494 = vector.multi_reduction <minsi>, %select_n3A_492, %reduce_min3A_493 [1] : vector<128x8192xi32> to vector<128xi32>
    %broadcast_in_dim3A_495 = vector.shape_cast %reduce_min3A_494 : vector<128xi32> to vector<128x1xi32>
    %add3A_496 = vector.broadcast %mul3A_58 : i32 to vector<128x1xi32>
    %add3A_497 = arith.addi %broadcast_in_dim3A_495, %add3A_496 : vector<128x1xi32>
    %swap3A_498 = arith.constant 0 : index
    %swap3A_499 = arith.constant 0 : index
    %swap3A_500 = arith.constant 18 : index
    %swap3A_501 = vector.load %arg4[%swap3A_498, %swap3A_499, %swap3A_500] : memref<1x128x24xi32, #tpu.memory_space<vmem>>, vector<1x128x1xi32>
    %swap3A_502 = vector.shape_cast %swap3A_501 : vector<1x128x1xi32> to vector<128x1xi32>
    %swap3A_503 = vector.shape_cast %add3A_497 : vector<128x1xi32> to vector<1x128x1xi32>
    tpu.vector_store %arg4[%swap3A_498, %swap3A_499, %swap3A_500], %swap3A_503 {strides = array<i32>} : memref<1x128x24xi32, #tpu.memory_space<vmem>>, vector<1x128x1xi32>,
    %eq3A_504 = vector.broadcast %broadcast_in_dim3A_495 : vector<128x1xi32> to vector<128x8192xi32>
    %eq3A_505 = arith.cmpi eq, %iota3A, %eq3A_504 : vector<128x8192xi32>
    %jit3A_506 = arith.constant 3.000000e+38 : f32
    %broadcast_in_dim3A_507 = vector.broadcast %jit3A_506 : f32 to vector<128x8192xf32>
    %select_n3A_508 = arith.select %eq3A_505, %broadcast_in_dim3A_507, %select_n3A_484 : vector<128x8192xi1>, vector<128x8192xf32>
    %reduce_min3A_509 = arith.constant dense<0x7F800000> : vector<128xf32>
    %reduce_min3A_510 = vector.multi_reduction <minimumf>, %select_n3A_508, %reduce_min3A_509 [1] : vector<128x8192xf32> to vector<128xf32>
    %broadcast_in_dim3A_511 = vector.shape_cast %reduce_min3A_510 : vector<128xf32> to vector<128x1xf32>
    %eq3A_512 = vector.broadcast %broadcast_in_dim3A_511 : vector<128x1xf32> to vector<128x8192xf32>
    %eq3A_513 = arith.cmpf oeq, %select_n3A_508, %eq3A_512 : vector<128x8192xf32>
    %jit3A_514 = arith.constant 1073741824 : i32
    %broadcast_in_dim3A_515 = vector.broadcast %jit3A_514 : i32 to vector<128x8192xi32>
    %select_n3A_516 = arith.select %eq3A_513, %iota3A, %broadcast_in_dim3A_515 : vector<128x8192xi1>, vector<128x8192xi32>
    %reduce_min3A_517 = arith.constant dense<2147483647> : vector<128xi32>
    %reduce_min3A_518 = vector.multi_reduction <minsi>, %select_n3A_516, %reduce_min3A_517 [1] : vector<128x8192xi32> to vector<128xi32>
    %broadcast_in_dim3A_519 = vector.shape_cast %reduce_min3A_518 : vector<128xi32> to vector<128x1xi32>
    %add3A_520 = vector.broadcast %mul3A_58 : i32 to vector<128x1xi32>
    %add3A_521 = arith.addi %broadcast_in_dim3A_519, %add3A_520 : vector<128x1xi32>
    %swap3A_522 = arith.constant 0 : index
    %swap3A_523 = arith.constant 0 : index
    %swap3A_524 = arith.constant 19 : index
    %swap3A_525 = vector.load %arg4[%swap3A_522, %swap3A_523, %swap3A_524] : memref<1x128x24xi32, #tpu.memory_space<vmem>>, vector<1x128x1xi32>
    %swap3A_526 = vector.shape_cast %swap3A_525 : vector<1x128x1xi32> to vector<128x1xi32>
    %swap3A_527 = vector.shape_cast %add3A_521 : vector<128x1xi32> to vector<1x128x1xi32>
    tpu.vector_store %arg4[%swap3A_522, %swap3A_523, %swap3A_524], %swap3A_527 {strides = array<i32>} : memref<1x128x24xi32, #tpu.memory_space<vmem>>, vector<1x128x1xi32>,
    %eq3A_528 = vector.broadcast %broadcast_in_dim3A_519 : vector<128x1xi32> to vector<128x8192xi32>
    %eq3A_529 = arith.cmpi eq, %iota3A, %eq3A_528 : vector<128x8192xi32>
    %jit3A_530 = arith.constant 3.000000e+38 : f32
    %broadcast_in_dim3A_531 = vector.broadcast %jit3A_530 : f32 to vector<128x8192xf32>
    %select_n3A_532 = arith.select %eq3A_529, %broadcast_in_dim3A_531, %select_n3A_508 : vector<128x8192xi1>, vector<128x8192xf32>
    %reduce_min3A_533 = arith.constant dense<0x7F800000> : vector<128xf32>
    %reduce_min3A_534 = vector.multi_reduction <minimumf>, %select_n3A_532, %reduce_min3A_533 [1] : vector<128x8192xf32> to vector<128xf32>
    %broadcast_in_dim3A_535 = vector.shape_cast %reduce_min3A_534 : vector<128xf32> to vector<128x1xf32>
    %eq3A_536 = vector.broadcast %broadcast_in_dim3A_535 : vector<128x1xf32> to vector<128x8192xf32>
    %eq3A_537 = arith.cmpf oeq, %select_n3A_532, %eq3A_536 : vector<128x8192xf32>
    %jit3A_538 = arith.constant 1073741824 : i32
    %broadcast_in_dim3A_539 = vector.broadcast %jit3A_538 : i32 to vector<128x8192xi32>
    %select_n3A_540 = arith.select %eq3A_537, %iota3A, %broadcast_in_dim3A_539 : vector<128x8192xi1>, vector<128x8192xi32>
    %reduce_min3A_541 = arith.constant dense<2147483647> : vector<128xi32>
    %reduce_min3A_542 = vector.multi_reduction <minsi>, %select_n3A_540, %reduce_min3A_541 [1] : vector<128x8192xi32> to vector<128xi32>
    %broadcast_in_dim3A_543 = vector.shape_cast %reduce_min3A_542 : vector<128xi32> to vector<128x1xi32>
    %add3A_544 = vector.broadcast %mul3A_58 : i32 to vector<128x1xi32>
    %add3A_545 = arith.addi %broadcast_in_dim3A_543, %add3A_544 : vector<128x1xi32>
    %swap3A_546 = arith.constant 0 : index
    %swap3A_547 = arith.constant 0 : index
    %swap3A_548 = arith.constant 20 : index
    %swap3A_549 = vector.load %arg4[%swap3A_546, %swap3A_547, %swap3A_548] : memref<1x128x24xi32, #tpu.memory_space<vmem>>, vector<1x128x1xi32>
    %swap3A_550 = vector.shape_cast %swap3A_549 : vector<1x128x1xi32> to vector<128x1xi32>
    %swap3A_551 = vector.shape_cast %add3A_545 : vector<128x1xi32> to vector<1x128x1xi32>
    tpu.vector_store %arg4[%swap3A_546, %swap3A_547, %swap3A_548], %swap3A_551 {strides = array<i32>} : memref<1x128x24xi32, #tpu.memory_space<vmem>>, vector<1x128x1xi32>,
    %eq3A_552 = vector.broadcast %broadcast_in_dim3A_543 : vector<128x1xi32> to vector<128x8192xi32>
    %eq3A_553 = arith.cmpi eq, %iota3A, %eq3A_552 : vector<128x8192xi32>
    %jit3A_554 = arith.constant 3.000000e+38 : f32
    %broadcast_in_dim3A_555 = vector.broadcast %jit3A_554 : f32 to vector<128x8192xf32>
    %select_n3A_556 = arith.select %eq3A_553, %broadcast_in_dim3A_555, %select_n3A_532 : vector<128x8192xi1>, vector<128x8192xf32>
    %reduce_min3A_557 = arith.constant dense<0x7F800000> : vector<128xf32>
    %reduce_min3A_558 = vector.multi_reduction <minimumf>, %select_n3A_556, %reduce_min3A_557 [1] : vector<128x8192xf32> to vector<128xf32>
    %broadcast_in_dim3A_559 = vector.shape_cast %reduce_min3A_558 : vector<128xf32> to vector<128x1xf32>
    %eq3A_560 = vector.broadcast %broadcast_in_dim3A_559 : vector<128x1xf32> to vector<128x8192xf32>
    %eq3A_561 = arith.cmpf oeq, %select_n3A_556, %eq3A_560 : vector<128x8192xf32>
    %jit3A_562 = arith.constant 1073741824 : i32
    %broadcast_in_dim3A_563 = vector.broadcast %jit3A_562 : i32 to vector<128x8192xi32>
    %select_n3A_564 = arith.select %eq3A_561, %iota3A, %broadcast_in_dim3A_563 : vector<128x8192xi1>, vector<128x8192xi32>
    %reduce_min3A_565 = arith.constant dense<2147483647> : vector<128xi32>
    %reduce_min3A_566 = vector.multi_reduction <minsi>, %select_n3A_564, %reduce_min3A_565 [1] : vector<128x8192xi32> to vector<128xi32>
    %broadcast_in_dim3A_567 = vector.shape_cast %reduce_min3A_566 : vector<128xi32> to vector<128x1xi32>
    %add3A_568 = vector.broadcast %mul3A_58 : i32 to vector<128x1xi32>
    %add3A_569 = arith.addi %broadcast_in_dim3A_567, %add3A_568 : vector<128x1xi32>
    %swap3A_570 = arith.constant 0 : index
    %swap3A_571 = arith.constant 0 : index
    %swap3A_572 = arith.constant 21 : index
    %swap3A_573 = vector.load %arg4[%swap3A_570, %swap3A_571, %swap3A_572] : memref<1x128x24xi32, #tpu.memory_space<vmem>>, vector<1x128x1xi32>
    %swap3A_574 = vector.shape_cast %swap3A_573 : vector<1x128x1xi32> to vector<128x1xi32>
    %swap3A_575 = vector.shape_cast %add3A_569 : vector<128x1xi32> to vector<1x128x1xi32>
    tpu.vector_store %arg4[%swap3A_570, %swap3A_571, %swap3A_572], %swap3A_575 {strides = array<i32>} : memref<1x128x24xi32, #tpu.memory_space<vmem>>, vector<1x128x1xi32>,
    %eq3A_576 = vector.broadcast %broadcast_in_dim3A_567 : vector<128x1xi32> to vector<128x8192xi32>
    %eq3A_577 = arith.cmpi eq, %iota3A, %eq3A_576 : vector<128x8192xi32>
    %jit3A_578 = arith.constant 3.000000e+38 : f32
    %broadcast_in_dim3A_579 = vector.broadcast %jit3A_578 : f32 to vector<128x8192xf32>
    %select_n3A_580 = arith.select %eq3A_577, %broadcast_in_dim3A_579, %select_n3A_556 : vector<128x8192xi1>, vector<128x8192xf32>
    %reduce_min3A_581 = arith.constant dense<0x7F800000> : vector<128xf32>
    %reduce_min3A_582 = vector.multi_reduction <minimumf>, %select_n3A_580, %reduce_min3A_581 [1] : vector<128x8192xf32> to vector<128xf32>
    %broadcast_in_dim3A_583 = vector.shape_cast %reduce_min3A_582 : vector<128xf32> to vector<128x1xf32>
    %eq3A_584 = vector.broadcast %broadcast_in_dim3A_583 : vector<128x1xf32> to vector<128x8192xf32>
    %eq3A_585 = arith.cmpf oeq, %select_n3A_580, %eq3A_584 : vector<128x8192xf32>
    %jit3A_586 = arith.constant 1073741824 : i32
    %broadcast_in_dim3A_587 = vector.broadcast %jit3A_586 : i32 to vector<128x8192xi32>
    %select_n3A_588 = arith.select %eq3A_585, %iota3A, %broadcast_in_dim3A_587 : vector<128x8192xi1>, vector<128x8192xi32>
    %reduce_min3A_589 = arith.constant dense<2147483647> : vector<128xi32>
    %reduce_min3A_590 = vector.multi_reduction <minsi>, %select_n3A_588, %reduce_min3A_589 [1] : vector<128x8192xi32> to vector<128xi32>
    %broadcast_in_dim3A_591 = vector.shape_cast %reduce_min3A_590 : vector<128xi32> to vector<128x1xi32>
    %add3A_592 = vector.broadcast %mul3A_58 : i32 to vector<128x1xi32>
    %add3A_593 = arith.addi %broadcast_in_dim3A_591, %add3A_592 : vector<128x1xi32>
    %swap3A_594 = arith.constant 0 : index
    %swap3A_595 = arith.constant 0 : index
    %swap3A_596 = arith.constant 22 : index
    %swap3A_597 = vector.load %arg4[%swap3A_594, %swap3A_595, %swap3A_596] : memref<1x128x24xi32, #tpu.memory_space<vmem>>, vector<1x128x1xi32>
    %swap3A_598 = vector.shape_cast %swap3A_597 : vector<1x128x1xi32> to vector<128x1xi32>
    %swap3A_599 = vector.shape_cast %add3A_593 : vector<128x1xi32> to vector<1x128x1xi32>
    tpu.vector_store %arg4[%swap3A_594, %swap3A_595, %swap3A_596], %swap3A_599 {strides = array<i32>} : memref<1x128x24xi32, #tpu.memory_space<vmem>>, vector<1x128x1xi32>,
    %eq3A_600 = vector.broadcast %broadcast_in_dim3A_591 : vector<128x1xi32> to vector<128x8192xi32>
    %eq3A_601 = arith.cmpi eq, %iota3A, %eq3A_600 : vector<128x8192xi32>
    %jit3A_602 = arith.constant 3.000000e+38 : f32
    %broadcast_in_dim3A_603 = vector.broadcast %jit3A_602 : f32 to vector<128x8192xf32>
    %select_n3A_604 = arith.select %eq3A_601, %broadcast_in_dim3A_603, %select_n3A_580 : vector<128x8192xi1>, vector<128x8192xf32>
    %reduce_min3A_605 = arith.constant dense<0x7F800000> : vector<128xf32>
    %reduce_min3A_606 = vector.multi_reduction <minimumf>, %select_n3A_604, %reduce_min3A_605 [1] : vector<128x8192xf32> to vector<128xf32>
    %broadcast_in_dim3A_607 = vector.shape_cast %reduce_min3A_606 : vector<128xf32> to vector<128x1xf32>
    %eq3A_608 = vector.broadcast %broadcast_in_dim3A_607 : vector<128x1xf32> to vector<128x8192xf32>
    %eq3A_609 = arith.cmpf oeq, %select_n3A_604, %eq3A_608 : vector<128x8192xf32>
    %jit3A_610 = arith.constant 1073741824 : i32
    %broadcast_in_dim3A_611 = vector.broadcast %jit3A_610 : i32 to vector<128x8192xi32>
    %select_n3A_612 = arith.select %eq3A_609, %iota3A, %broadcast_in_dim3A_611 : vector<128x8192xi1>, vector<128x8192xi32>
    %reduce_min3A_613 = arith.constant dense<2147483647> : vector<128xi32>
    %reduce_min3A_614 = vector.multi_reduction <minsi>, %select_n3A_612, %reduce_min3A_613 [1] : vector<128x8192xi32> to vector<128xi32>
    %broadcast_in_dim3A_615 = vector.shape_cast %reduce_min3A_614 : vector<128xi32> to vector<128x1xi32>
    %add3A_616 = vector.broadcast %mul3A_58 : i32 to vector<128x1xi32>
    %add3A_617 = arith.addi %broadcast_in_dim3A_615, %add3A_616 : vector<128x1xi32>
    %swap3A_618 = arith.constant 0 : index
    %swap3A_619 = arith.constant 0 : index
    %swap3A_620 = arith.constant 23 : index
    %swap3A_621 = vector.load %arg4[%swap3A_618, %swap3A_619, %swap3A_620] : memref<1x128x24xi32, #tpu.memory_space<vmem>>, vector<1x128x1xi32>
    %swap3A_622 = vector.shape_cast %swap3A_621 : vector<1x128x1xi32> to vector<128x1xi32>
    %swap3A_623 = vector.shape_cast %add3A_617 : vector<128x1xi32> to vector<1x128x1xi32>
    tpu.vector_store %arg4[%swap3A_618, %swap3A_619, %swap3A_620], %swap3A_623 {strides = array<i32>} : memref<1x128x24xi32, #tpu.memory_space<vmem>>, vector<1x128x1xi32>,
    return
  }
  func.func @transform_0(%arg0: i32, %arg1: i32) -> (i32, i32, i32) {
    %c0_i32 = arith.constant 0 : i32
    %c0_i32_0 = arith.constant 0 : i32
    return %arg0, %arg1, %c0_i32 : i32, i32, i32
  }
  func.func @transform_1(%arg0: i32, %arg1: i32) -> (i32, i32, i32) {
    %c0_i32 = arith.constant 0 : i32
    %c0_i32_0 = arith.constant 0 : i32
    %c0_i32_1 = arith.constant 0 : i32
    return %arg0, %c0_i32, %c0_i32_0 : i32, i32, i32
  }
  func.func @transform_2(%arg0: i32, %arg1: i32) -> (i32, i32, i32) {
    %c0_i32 = arith.constant 0 : i32
    %c0_i32_0 = arith.constant 0 : i32
    return %arg0, %arg1, %c0_i32 : i32, i32, i32
  }
}

module attributes {stable_mosaic.version = 14 : i64} {
  func.func @_p2_body(%arg0: i32, %arg1: i32, %arg2: memref<1x128x24x64xf32, #tpu.memory_space<vmem>>, %arg3: memref<1x8x128xf32, #tpu.memory_space<vmem>>) attributes {dimension_semantics = [#tpu.dimension_semantics<arbitrary>, #tpu.dimension_semantics<arbitrary>], iteration_bounds = array<i64: 4, 8>, scalar_prefetch = 0 : i64, scratch_operands = 0 : i64, tpu.core_type = #tpu.core_type<tc>, window_params = [{transform_indices = @transform_0, window_bounds = array<i64: 1, 128, 24, 64>}, {transform_indices = @transform_1, window_bounds = array<i64: 1, 8, 128>}]} {
    %eq3A = arith.constant 0 : i32
    %eq3A_0 = arith.cmpi eq, %arg1, %eq3A : i32
    %convert_element_type3A = arith.extui %eq3A_0 : i1 to i32
    %cond3A = arith.constant 0 : i32
    %cond3A_1 = arith.cmpi ne, %convert_element_type3A, %cond3A : i32
    scf.if %cond3A_1 {
      %broadcast_in_dim3A_24 = arith.constant 0.000000e+00 : f32
      %broadcast_in_dim3A_25 = vector.broadcast %broadcast_in_dim3A_24 : f32 to vector<1x8x128xf32>
      %swap3A_26 = arith.constant 0 : index
      %swap3A_27 = arith.constant 0 : index
      %swap3A_28 = arith.constant 0 : index
      %swap3A_29 = vector.load %arg3[%swap3A_26, %swap3A_27, %swap3A_28] : memref<1x8x128xf32, #tpu.memory_space<vmem>>, vector<1x8x128xf32>
      tpu.vector_store %arg3[%swap3A_26, %swap3A_27, %swap3A_28], %broadcast_in_dim3A_25 {strides = array<i32>} : memref<1x8x128xf32, #tpu.memory_space<vmem>>, vector<1x8x128xf32>,
    } else {
    }
    %get3A = arith.constant 0 : index
    %get3A_2 = arith.constant 0 : index
    %get3A_3 = arith.constant 0 : index
    %get3A_4 = arith.constant 0 : index
    %get3A_5 = vector.load %arg2[%get3A, %get3A_2, %get3A_3, %get3A_4] : memref<1x128x24x64xf32, #tpu.memory_space<vmem>>, vector<1x128x24x64xf32>
    %get3A_6 = vector.shape_cast %get3A_5 : vector<1x128x24x64xf32> to vector<128x24x64xf32>
    %reduce_sum3A = arith.constant dense<0.000000e+00> : vector<128x64xf32>
    %reduce_sum3A_7 = vector.multi_reduction <add>, %get3A_6, %reduce_sum3A [1] : vector<128x24x64xf32> to vector<128x64xf32>
    %broadcast_in_dim3A = vector.shape_cast %reduce_sum3A_7 : vector<128x64xf32> to vector<128x1x64xf32>
    %div3A = arith.constant 2.400000e+01 : f32
    %div3A_8 = vector.broadcast %div3A : f32 to vector<128x1x64xf32>
    %div3A_9 = arith.divf %broadcast_in_dim3A, %div3A_8 : vector<128x1x64xf32>
    %sub3A = vector.broadcast %div3A_9 : vector<128x1x64xf32> to vector<128x24x64xf32>
    %sub3A_10 = arith.subf %get3A_6, %sub3A : vector<128x24x64xf32>
    %get3A_11 = arith.constant 0 : index
    %get3A_12 = arith.constant 0 : index
    %get3A_13 = arith.constant 0 : index
    %get3A_14 = vector.load %arg3[%get3A_11, %get3A_12, %get3A_13] : memref<1x8x128xf32, #tpu.memory_space<vmem>>, vector<1x8x128xf32>
    %mul3A = arith.mulf %sub3A_10, %sub3A_10 : vector<128x24x64xf32>
    %reduce_sum3A_15 = vector.shape_cast %mul3A : vector<128x24x64xf32> to vector<1x128x24x64xf32>
    %reduce_sum3A_16 = arith.constant dense<0.000000e+00> : vector<1xf32>
    %reduce_sum3A_17 = vector.multi_reduction <add>, %reduce_sum3A_15, %reduce_sum3A_16 [1, 2, 3] : vector<1x128x24x64xf32> to vector<1xf32>
    %reduce_sum3A_18 = vector.shape_cast %reduce_sum3A_17 : vector<1xf32> to vector<1x1x1x1xf32>
    %reduce_sum3A_19 = vector.extract %reduce_sum3A_18[0, 0, 0, 0] : f32 from vector<1x1x1x1xf32>
    %add3A = vector.broadcast %reduce_sum3A_19 : f32 to vector<1x8x128xf32>
    %add3A_20 = arith.addf %get3A_14, %add3A : vector<1x8x128xf32>
    %swap3A = arith.constant 0 : index
    %swap3A_21 = arith.constant 0 : index
    %swap3A_22 = arith.constant 0 : index
    %swap3A_23 = vector.load %arg3[%swap3A, %swap3A_21, %swap3A_22] : memref<1x8x128xf32, #tpu.memory_space<vmem>>, vector<1x8x128xf32>
    tpu.vector_store %arg3[%swap3A, %swap3A_21, %swap3A_22], %add3A_20 {strides = array<i32>} : memref<1x8x128xf32, #tpu.memory_space<vmem>>, vector<1x8x128xf32>,
    return
  }
  func.func @transform_0(%arg0: i32, %arg1: i32) -> (i32, i32, i32, i32) {
    %c0_i32 = arith.constant 0 : i32
    %c0_i32_0 = arith.constant 0 : i32
    %c0_i32_1 = arith.constant 0 : i32
    return %arg0, %arg1, %c0_i32, %c0_i32_0 : i32, i32, i32, i32
  }
  func.func @transform_1(%arg0: i32, %arg1: i32) -> (i32, i32, i32) {
    %c0_i32 = arith.constant 0 : i32
    %c0_i32_0 = arith.constant 0 : i32
    %c0_i32_1 = arith.constant 0 : i32
    return %arg0, %c0_i32, %c0_i32_0 : i32, i32, i32
  }
}

module attributes {stable_mosaic.version = 14 : i64} {
  func.func @_p3_body(%arg0: i32, %arg1: i32, %arg2: memref<1x128x24x64xf32, #tpu.memory_space<vmem>>, %arg3: memref<1x128x64xf32, #tpu.memory_space<vmem>>, %arg4: memref<4xf32, #tpu.memory_space<smem>>, %arg5: memref<1x64xf32, #tpu.memory_space<vmem>>, %arg6: memref<1x64xf32, #tpu.memory_space<vmem>>, %arg7: memref<64x128xf32, #tpu.memory_space<vmem>>, %arg8: memref<64x128xf32, #tpu.memory_space<vmem>>, %arg9: memref<1x128xf32, #tpu.memory_space<vmem>>, %arg10: memref<3072x128xf32, #tpu.memory_space<vmem>>, %arg11: memref<1x128xf32, #tpu.memory_space<vmem>>, %arg12: memref<1x128xf32, #tpu.memory_space<vmem>>) attributes {dimension_semantics = [#tpu.dimension_semantics<arbitrary>, #tpu.dimension_semantics<arbitrary>], iteration_bounds = array<i64: 4, 8>, scalar_prefetch = 0 : i64, scratch_operands = 0 : i64, tpu.core_type = #tpu.core_type<tc>, window_params = [{transform_indices = @transform_0, window_bounds = array<i64: 1, 128, 24, 64>}, {transform_indices = @transform_1, window_bounds = array<i64: 1, 128, 64>}, {transform_indices = @transform_2, window_bounds = array<i64: 4>}, {pipeline_mode = #tpu.pipeline_mode<synchronous>, transform_indices = @transform_3, window_bounds = array<i64: 1, 64>}, {pipeline_mode = #tpu.pipeline_mode<synchronous>, transform_indices = @transform_4, window_bounds = array<i64: 1, 64>}, {pipeline_mode = #tpu.pipeline_mode<synchronous>, transform_indices = @transform_5, window_bounds = array<i64: 64, 128>}, {pipeline_mode = #tpu.pipeline_mode<synchronous>, transform_indices = @transform_6, window_bounds = array<i64: 64, 128>}, {pipeline_mode = #tpu.pipeline_mode<synchronous>, transform_indices = @transform_7, window_bounds = array<i64: 1, 128>}, {transform_indices = @transform_8, window_bounds = array<i64: 3072, 128>}, {pipeline_mode = #tpu.pipeline_mode<synchronous>, transform_indices = @transform_9, window_bounds = array<i64: 1, 128>}, {pipeline_mode = #tpu.pipeline_mode<synchronous>, transform_indices = @transform_10, window_bounds = array<i64: 1, 128>}]} {
    %eq3A = arith.constant 0 : i32
    %eq3A_0 = arith.cmpi eq, %arg0, %eq3A : i32
    %eq3A_1 = arith.constant 0 : i32
    %eq3A_2 = arith.cmpi eq, %arg1, %eq3A_1 : i32
    %and3A = arith.andi %eq3A_0, %eq3A_2 : i1
    %convert_element_type3A = arith.extui %and3A : i1 to i32
    %cond3A = arith.constant 0 : i32
    %cond3A_3 = arith.cmpi ne, %convert_element_type3A, %cond3A : i32
    scf.if %cond3A_3 {
      %broadcast_in_dim3A_74 = arith.constant 0.000000e+00 : f32
      %broadcast_in_dim3A_75 = vector.broadcast %broadcast_in_dim3A_74 : f32 to vector<1x128xf32>
      %swap3A_76 = arith.constant 0 : index
      %swap3A_77 = arith.constant 0 : index
      %swap3A_78 = vector.load %arg11[%swap3A_76, %swap3A_77] : memref<1x128xf32, #tpu.memory_space<vmem>>, vector<1x128xf32>
      tpu.vector_store %arg11[%swap3A_76, %swap3A_77], %broadcast_in_dim3A_75 {strides = array<i32>} : memref<1x128xf32, #tpu.memory_space<vmem>>, vector<1x128xf32>,
      %broadcast_in_dim3A_79 = arith.constant 0.000000e+00 : f32
      %broadcast_in_dim3A_80 = vector.broadcast %broadcast_in_dim3A_79 : f32 to vector<1x128xf32>
      %swap3A_81 = arith.constant 0 : index
      %swap3A_82 = arith.constant 0 : index
      %swap3A_83 = vector.load %arg12[%swap3A_81, %swap3A_82] : memref<1x128xf32, #tpu.memory_space<vmem>>, vector<1x128xf32>
      tpu.vector_store %arg12[%swap3A_81, %swap3A_82], %broadcast_in_dim3A_80 {strides = array<i32>} : memref<1x128xf32, #tpu.memory_space<vmem>>, vector<1x128xf32>,
    } else {
    }
    %get3A = arith.constant 0 : index
    %get3A_4 = arith.constant 0 : index
    %get3A_5 = arith.constant 0 : index
    %get3A_6 = arith.constant 0 : index
    %get3A_7 = vector.load %arg2[%get3A, %get3A_4, %get3A_5, %get3A_6] : memref<1x128x24x64xf32, #tpu.memory_space<vmem>>, vector<1x128x24x64xf32>
    %get3A_8 = vector.shape_cast %get3A_7 : vector<1x128x24x64xf32> to vector<128x24x64xf32>
    %reduce_sum3A = arith.constant dense<0.000000e+00> : vector<128x64xf32>
    %reduce_sum3A_9 = vector.multi_reduction <add>, %get3A_8, %reduce_sum3A [1] : vector<128x24x64xf32> to vector<128x64xf32>
    %broadcast_in_dim3A = vector.shape_cast %reduce_sum3A_9 : vector<128x64xf32> to vector<128x1x64xf32>
    %div3A = arith.constant 2.400000e+01 : f32
    %div3A_10 = vector.broadcast %div3A : f32 to vector<128x1x64xf32>
    %div3A_11 = arith.divf %broadcast_in_dim3A, %div3A_10 : vector<128x1x64xf32>
    %sub3A = vector.broadcast %div3A_11 : vector<128x1x64xf32> to vector<128x24x64xf32>
    %sub3A_12 = arith.subf %get3A_8, %sub3A : vector<128x24x64xf32>
    %get3A_13 = arith.index_cast %arg0 : i32 to index
    %get3A_14 = memref.load %arg4[%get3A_13] : memref<4xf32, #tpu.memory_space<smem>>
    %get3A_15 = arith.constant 0 : index
    %get3A_16 = arith.constant 0 : index
    %get3A_17 = vector.load %arg5[%get3A_15, %get3A_16] : memref<1x64xf32, #tpu.memory_space<vmem>>, vector<1x64xf32>
    %reshape3A = vector.shape_cast %get3A_17 : vector<1x64xf32> to vector<1x1x64xf32>
    %get3A_18 = arith.constant 0 : index
    %get3A_19 = arith.constant 0 : index
    %get3A_20 = vector.load %arg6[%get3A_18, %get3A_19] : memref<1x64xf32, #tpu.memory_space<vmem>>, vector<1x64xf32>
    %reshape3A_21 = vector.shape_cast %get3A_20 : vector<1x64xf32> to vector<1x1x64xf32>
    %div3A_22 = vector.broadcast %get3A_14 : f32 to vector<128x24x64xf32>
    %div3A_23 = arith.divf %sub3A_12, %div3A_22 : vector<128x24x64xf32>
    %mul3A = vector.broadcast %reshape3A : vector<1x1x64xf32> to vector<128x24x64xf32>
    %mul3A_24 = arith.mulf %mul3A, %div3A_23 : vector<128x24x64xf32>
    %add3A = vector.broadcast %reshape3A_21 : vector<1x1x64xf32> to vector<128x24x64xf32>
    %add3A_25 = arith.addf %mul3A_24, %add3A : vector<128x24x64xf32>
    %reshape3A_26 = vector.shape_cast %add3A_25 : vector<128x24x64xf32> to vector<3072x64xf32>
    %get3A_27 = arith.constant 0 : index
    %get3A_28 = arith.constant 0 : index
    %get3A_29 = arith.constant 0 : index
    %get3A_30 = vector.load %arg3[%get3A_27, %get3A_28, %get3A_29] : memref<1x128x64xf32, #tpu.memory_space<vmem>>, vector<1x128x64xf32>
    %get3A_31 = vector.shape_cast %get3A_30 : vector<1x128x64xf32> to vector<128x64xf32>
    %broadcast_in_dim3A_32 = vector.shape_cast %get3A_31 : vector<128x64xf32> to vector<128x1x64xf32>
    %broadcast_in_dim3A_33 = vector.shape_cast %broadcast_in_dim3A_32 : vector<128x1x64xf32> to vector<128x1x64xf32>
    %broadcast_in_dim3A_34 = vector.broadcast %broadcast_in_dim3A_33 : vector<128x1x64xf32> to vector<128x24x64xf32>
    %reshape3A_35 = vector.shape_cast %broadcast_in_dim3A_34 : vector<128x24x64xf32> to vector<3072x64xf32>
    %get3A_36 = arith.constant 0 : index
    %get3A_37 = arith.constant 0 : index
    %get3A_38 = vector.load %arg7[%get3A_36, %get3A_37] : memref<64x128xf32, #tpu.memory_space<vmem>>, vector<64x128xf32>
    %dot_general3A = arith.constant dense<0.000000e+00> : vector<3072x128xf32>
    %dot_general3A_39 = tpu.matmul %reshape3A_26, %get3A_38, %dot_general3A {dimension_numbers = #tpu.dot_dimension_numbers<[1], [0], [0], [1], [0, 0, 1, 1], [], []>, transpose_lhs_hint = false} : vector<3072x64xf32>, vector<64x128xf32>, vector<3072x128xf32> -> vector<3072x128xf32>
    %get3A_40 = arith.constant 0 : index
    %get3A_41 = arith.constant 0 : index
    %get3A_42 = vector.load %arg8[%get3A_40, %get3A_41] : memref<64x128xf32, #tpu.memory_space<vmem>>, vector<64x128xf32>
    %dot_general3A_43 = arith.constant dense<0.000000e+00> : vector<3072x128xf32>
    %dot_general3A_44 = tpu.matmul %reshape3A_35, %get3A_42, %dot_general3A_43 {dimension_numbers = #tpu.dot_dimension_numbers<[1], [0], [0], [1], [0, 0, 1, 1], [], []>, transpose_lhs_hint = false} : vector<3072x64xf32>, vector<64x128xf32>, vector<3072x128xf32> -> vector<3072x128xf32>
    %add3A_45 = arith.addf %dot_general3A_39, %dot_general3A_44 : vector<3072x128xf32>
    %get3A_46 = arith.constant 0 : index
    %get3A_47 = arith.constant 0 : index
    %get3A_48 = vector.load %arg9[%get3A_46, %get3A_47] : memref<1x128xf32, #tpu.memory_space<vmem>>, vector<1x128xf32>
    %add3A_49 = vector.broadcast %get3A_48 : vector<1x128xf32> to vector<3072x128xf32>
    %add3A_50 = arith.addf %add3A_45, %add3A_49 : vector<3072x128xf32>
    %swap3A = arith.constant 0 : index
    %swap3A_51 = arith.constant 0 : index
    %swap3A_52 = vector.load %arg10[%swap3A, %swap3A_51] : memref<3072x128xf32, #tpu.memory_space<vmem>>, vector<3072x128xf32>
    tpu.vector_store %arg10[%swap3A, %swap3A_51], %add3A_50 {strides = array<i32>} : memref<3072x128xf32, #tpu.memory_space<vmem>>, vector<3072x128xf32>,
    %get3A_53 = arith.constant 0 : index
    %get3A_54 = arith.constant 0 : index
    %get3A_55 = vector.load %arg11[%get3A_53, %get3A_54] : memref<1x128xf32, #tpu.memory_space<vmem>>, vector<1x128xf32>
    %reduce_sum3A_56 = arith.constant dense<0.000000e+00> : vector<128xf32>
    %reduce_sum3A_57 = vector.multi_reduction <add>, %add3A_50, %reduce_sum3A_56 [0] : vector<3072x128xf32> to vector<128xf32>
    %broadcast_in_dim3A_58 = vector.shape_cast %reduce_sum3A_57 : vector<128xf32> to vector<1x128xf32>
    %add3A_59 = arith.addf %get3A_55, %broadcast_in_dim3A_58 : vector<1x128xf32>
    %swap3A_60 = arith.constant 0 : index
    %swap3A_61 = arith.constant 0 : index
    %swap3A_62 = vector.load %arg11[%swap3A_60, %swap3A_61] : memref<1x128xf32, #tpu.memory_space<vmem>>, vector<1x128xf32>
    tpu.vector_store %arg11[%swap3A_60, %swap3A_61], %add3A_59 {strides = array<i32>} : memref<1x128xf32, #tpu.memory_space<vmem>>, vector<1x128xf32>,
    %get3A_63 = arith.constant 0 : index
    %get3A_64 = arith.constant 0 : index
    %get3A_65 = vector.load %arg12[%get3A_63, %get3A_64] : memref<1x128xf32, #tpu.memory_space<vmem>>, vector<1x128xf32>
    %mul3A_66 = arith.mulf %add3A_50, %add3A_50 : vector<3072x128xf32>
    %reduce_sum3A_67 = arith.constant dense<0.000000e+00> : vector<128xf32>
    %reduce_sum3A_68 = vector.multi_reduction <add>, %mul3A_66, %reduce_sum3A_67 [0] : vector<3072x128xf32> to vector<128xf32>
    %broadcast_in_dim3A_69 = vector.shape_cast %reduce_sum3A_68 : vector<128xf32> to vector<1x128xf32>
    %add3A_70 = arith.addf %get3A_65, %broadcast_in_dim3A_69 : vector<1x128xf32>
    %swap3A_71 = arith.constant 0 : index
    %swap3A_72 = arith.constant 0 : index
    %swap3A_73 = vector.load %arg12[%swap3A_71, %swap3A_72] : memref<1x128xf32, #tpu.memory_space<vmem>>, vector<1x128xf32>
    tpu.vector_store %arg12[%swap3A_71, %swap3A_72], %add3A_70 {strides = array<i32>} : memref<1x128xf32, #tpu.memory_space<vmem>>, vector<1x128xf32>,
    return
  }
  func.func @transform_0(%arg0: i32, %arg1: i32) -> (i32, i32, i32, i32) {
    %c0_i32 = arith.constant 0 : i32
    %c0_i32_0 = arith.constant 0 : i32
    %c0_i32_1 = arith.constant 0 : i32
    return %arg0, %arg1, %c0_i32, %c0_i32_0 : i32, i32, i32, i32
  }
  func.func @transform_1(%arg0: i32, %arg1: i32) -> (i32, i32, i32) {
    %c0_i32 = arith.constant 0 : i32
    %c0_i32_0 = arith.constant 0 : i32
    return %arg0, %arg1, %c0_i32 : i32, i32, i32
  }
  func.func @transform_2(%arg0: i32, %arg1: i32) -> i32 {
    %c0_i32 = arith.constant 0 : i32
    %c0_i32_0 = arith.constant 0 : i32
    return %c0_i32 : i32
  }
  func.func @transform_3(%arg0: i32, %arg1: i32) -> (i32, i32) {
    %c0_i32 = arith.constant 0 : i32
    %c0_i32_0 = arith.constant 0 : i32
    %c0_i32_1 = arith.constant 0 : i32
    return %c0_i32, %c0_i32_0 : i32, i32
  }
  func.func @transform_4(%arg0: i32, %arg1: i32) -> (i32, i32) {
    %c0_i32 = arith.constant 0 : i32
    %c0_i32_0 = arith.constant 0 : i32
    %c0_i32_1 = arith.constant 0 : i32
    return %c0_i32, %c0_i32_0 : i32, i32
  }
  func.func @transform_5(%arg0: i32, %arg1: i32) -> (i32, i32) {
    %c0_i32 = arith.constant 0 : i32
    %c0_i32_0 = arith.constant 0 : i32
    %c0_i32_1 = arith.constant 0 : i32
    return %c0_i32, %c0_i32_0 : i32, i32
  }
  func.func @transform_6(%arg0: i32, %arg1: i32) -> (i32, i32) {
    %c0_i32 = arith.constant 0 : i32
    %c0_i32_0 = arith.constant 0 : i32
    %c0_i32_1 = arith.constant 0 : i32
    return %c0_i32, %c0_i32_0 : i32, i32
  }
  func.func @transform_7(%arg0: i32, %arg1: i32) -> (i32, i32) {
    %c0_i32 = arith.constant 0 : i32
    %c0_i32_0 = arith.constant 0 : i32
    %c0_i32_1 = arith.constant 0 : i32
    return %c0_i32, %c0_i32_0 : i32, i32
  }
  func.func @transform_8(%arg0: i32, %arg1: i32) -> (i32, i32) {
    %mul3A = arith.constant 8 : i32
    %mul3A_0 = arith.muli %arg0, %mul3A : i32
    %add3A = arith.addi %mul3A_0, %arg1 : i32
    %c0_i32 = arith.constant 0 : i32
    %c0_i32_1 = arith.constant 0 : i32
    return %add3A, %c0_i32 : i32, i32
  }
  func.func @transform_9(%arg0: i32, %arg1: i32) -> (i32, i32) {
    %c0_i32 = arith.constant 0 : i32
    %c0_i32_0 = arith.constant 0 : i32
    %c0_i32_1 = arith.constant 0 : i32
    return %c0_i32, %c0_i32_0 : i32, i32
  }
  func.func @transform_10(%arg0: i32, %arg1: i32) -> (i32, i32) {
    %c0_i32 = arith.constant 0 : i32
    %c0_i32_0 = arith.constant 0 : i32
    %c0_i32_1 = arith.constant 0 : i32
    return %c0_i32, %c0_i32_0 : i32, i32
  }
}

module attributes {stable_mosaic.version = 14 : i64} {
  func.func @_p4_body(%arg0: i32, %arg1: memref<3072x128xf32, #tpu.memory_space<vmem>>, %arg2: memref<1x128xf32, #tpu.memory_space<vmem>>, %arg3: memref<1x128xf32, #tpu.memory_space<vmem>>, %arg4: memref<128x64xf32, #tpu.memory_space<vmem>>, %arg5: memref<128x64xf32, #tpu.memory_space<vmem>>, %arg6: memref<1x64xf32, #tpu.memory_space<vmem>>, %arg7: memref<1x64xf32, #tpu.memory_space<vmem>>, %arg8: memref<3072x64xf32, #tpu.memory_space<vmem>>, %arg9: memref<3072x64xf32, #tpu.memory_space<vmem>>, %arg10: memref<1x64xf32, #tpu.memory_space<vmem>>, %arg11: memref<1x64xf32, #tpu.memory_space<vmem>>, %arg12: memref<1x64xf32, #tpu.memory_space<vmem>>, %arg13: memref<1x64xf32, #tpu.memory_space<vmem>>) attributes {dimension_semantics = [#tpu.dimension_semantics<arbitrary>], iteration_bounds = array<i64: 32>, scalar_prefetch = 0 : i64, scratch_operands = 0 : i64, tpu.core_type = #tpu.core_type<tc>, window_params = [{transform_indices = @transform_0, window_bounds = array<i64: 3072, 128>}, {pipeline_mode = #tpu.pipeline_mode<synchronous>, transform_indices = @transform_1, window_bounds = array<i64: 1, 128>}, {pipeline_mode = #tpu.pipeline_mode<synchronous>, transform_indices = @transform_2, window_bounds = array<i64: 1, 128>}, {pipeline_mode = #tpu.pipeline_mode<synchronous>, transform_indices = @transform_3, window_bounds = array<i64: 128, 64>}, {pipeline_mode = #tpu.pipeline_mode<synchronous>, transform_indices = @transform_4, window_bounds = array<i64: 128, 64>}, {pipeline_mode = #tpu.pipeline_mode<synchronous>, transform_indices = @transform_5, window_bounds = array<i64: 1, 64>}, {pipeline_mode = #tpu.pipeline_mode<synchronous>, transform_indices = @transform_6, window_bounds = array<i64: 1, 64>}, {transform_indices = @transform_7, window_bounds = array<i64: 3072, 64>}, {transform_indices = @transform_8, window_bounds = array<i64: 3072, 64>}, {pipeline_mode = #tpu.pipeline_mode<synchronous>, transform_indices = @transform_9, window_bounds = array<i64: 1, 64>}, {pipeline_mode = #tpu.pipeline_mode<synchronous>, transform_indices = @transform_10, window_bounds = array<i64: 1, 64>}, {pipeline_mode = #tpu.pipeline_mode<synchronous>, transform_indices = @transform_11, window_bounds = array<i64: 1, 64>}, {pipeline_mode = #tpu.pipeline_mode<synchronous>, transform_indices = @transform_12, window_bounds = array<i64: 1, 64>}]} {
    %eq3A = arith.constant 0 : i32
    %eq3A_0 = arith.cmpi eq, %arg0, %eq3A : i32
    %convert_element_type3A = arith.extui %eq3A_0 : i1 to i32
    %cond3A = arith.constant 0 : i32
    %cond3A_1 = arith.cmpi ne, %convert_element_type3A, %cond3A : i32
    scf.if %cond3A_1 {
      %broadcast_in_dim3A_81 = arith.constant 0.000000e+00 : f32
      %broadcast_in_dim3A_82 = vector.broadcast %broadcast_in_dim3A_81 : f32 to vector<1x64xf32>
      %swap3A_83 = arith.constant 0 : index
      %swap3A_84 = arith.constant 0 : index
      %swap3A_85 = vector.load %arg10[%swap3A_83, %swap3A_84] : memref<1x64xf32, #tpu.memory_space<vmem>>, vector<1x64xf32>
      tpu.vector_store %arg10[%swap3A_83, %swap3A_84], %broadcast_in_dim3A_82 {strides = array<i32>} : memref<1x64xf32, #tpu.memory_space<vmem>>, vector<1x64xf32>,
      %broadcast_in_dim3A_86 = arith.constant 0.000000e+00 : f32
      %broadcast_in_dim3A_87 = vector.broadcast %broadcast_in_dim3A_86 : f32 to vector<1x64xf32>
      %swap3A_88 = arith.constant 0 : index
      %swap3A_89 = arith.constant 0 : index
      %swap3A_90 = vector.load %arg11[%swap3A_88, %swap3A_89] : memref<1x64xf32, #tpu.memory_space<vmem>>, vector<1x64xf32>
      tpu.vector_store %arg11[%swap3A_88, %swap3A_89], %broadcast_in_dim3A_87 {strides = array<i32>} : memref<1x64xf32, #tpu.memory_space<vmem>>, vector<1x64xf32>,
      %broadcast_in_dim3A_91 = arith.constant 0.000000e+00 : f32
      %broadcast_in_dim3A_92 = vector.broadcast %broadcast_in_dim3A_91 : f32 to vector<1x64xf32>
      %swap3A_93 = arith.constant 0 : index
      %swap3A_94 = arith.constant 0 : index
      %swap3A_95 = vector.load %arg12[%swap3A_93, %swap3A_94] : memref<1x64xf32, #tpu.memory_space<vmem>>, vector<1x64xf32>
      tpu.vector_store %arg12[%swap3A_93, %swap3A_94], %broadcast_in_dim3A_92 {strides = array<i32>} : memref<1x64xf32, #tpu.memory_space<vmem>>, vector<1x64xf32>,
      %broadcast_in_dim3A_96 = arith.constant 0.000000e+00 : f32
      %broadcast_in_dim3A_97 = vector.broadcast %broadcast_in_dim3A_96 : f32 to vector<1x64xf32>
      %swap3A_98 = arith.constant 0 : index
      %swap3A_99 = arith.constant 0 : index
      %swap3A_100 = vector.load %arg13[%swap3A_98, %swap3A_99] : memref<1x64xf32, #tpu.memory_space<vmem>>, vector<1x64xf32>
      tpu.vector_store %arg13[%swap3A_98, %swap3A_99], %broadcast_in_dim3A_97 {strides = array<i32>} : memref<1x64xf32, #tpu.memory_space<vmem>>, vector<1x64xf32>,
    } else {
    }
    %get3A = arith.constant 0 : index
    %get3A_2 = arith.constant 0 : index
    %get3A_3 = vector.load %arg1[%get3A, %get3A_2] : memref<3072x128xf32, #tpu.memory_space<vmem>>, vector<3072x128xf32>
    %get3A_4 = arith.constant 0 : index
    %get3A_5 = arith.constant 0 : index
    %get3A_6 = vector.load %arg2[%get3A_4, %get3A_5] : memref<1x128xf32, #tpu.memory_space<vmem>>, vector<1x128xf32>
    %mul3A = vector.broadcast %get3A_6 : vector<1x128xf32> to vector<3072x128xf32>
    %mul3A_7 = arith.mulf %mul3A, %get3A_3 : vector<3072x128xf32>
    %get3A_8 = arith.constant 0 : index
    %get3A_9 = arith.constant 0 : index
    %get3A_10 = vector.load %arg3[%get3A_8, %get3A_9] : memref<1x128xf32, #tpu.memory_space<vmem>>, vector<1x128xf32>
    %add3A = vector.broadcast %get3A_10 : vector<1x128xf32> to vector<3072x128xf32>
    %add3A_11 = arith.addf %mul3A_7, %add3A : vector<3072x128xf32>
    %ge3A = arith.constant 0.000000e+00 : f32
    %ge3A_12 = vector.broadcast %ge3A : f32 to vector<3072x128xf32>
    %ge3A_13 = arith.cmpf oge, %add3A_11, %ge3A_12 : vector<3072x128xf32>
    %mul3A_14 = arith.constant 0.00999999977 : f32
    %mul3A_15 = vector.broadcast %mul3A_14 : f32 to vector<3072x128xf32>
    %mul3A_16 = arith.mulf %mul3A_15, %add3A_11 : vector<3072x128xf32>
    %select_n3A = arith.select %ge3A_13, %add3A_11, %mul3A_16 : vector<3072x128xi1>, vector<3072x128xf32>
    %get3A_17 = arith.constant 0 : index
    %get3A_18 = arith.constant 0 : index
    %get3A_19 = vector.load %arg4[%get3A_17, %get3A_18] : memref<128x64xf32, #tpu.memory_space<vmem>>, vector<128x64xf32>
    %dot_general3A = arith.constant dense<0.000000e+00> : vector<3072x64xf32>
    %dot_general3A_20 = tpu.matmul %select_n3A, %get3A_19, %dot_general3A {dimension_numbers = #tpu.dot_dimension_numbers<[1], [0], [0], [1], [0, 0, 1, 1], [], []>, transpose_lhs_hint = false} : vector<3072x128xf32>, vector<128x64xf32>, vector<3072x64xf32> -> vector<3072x64xf32>
    %get3A_21 = arith.constant 0 : index
    %get3A_22 = arith.constant 0 : index
    %get3A_23 = vector.load %arg6[%get3A_21, %get3A_22] : memref<1x64xf32, #tpu.memory_space<vmem>>, vector<1x64xf32>
    %add3A_24 = vector.broadcast %get3A_23 : vector<1x64xf32> to vector<3072x64xf32>
    %add3A_25 = arith.addf %dot_general3A_20, %add3A_24 : vector<3072x64xf32>
    %get3A_26 = arith.constant 0 : index
    %get3A_27 = arith.constant 0 : index
    %get3A_28 = vector.load %arg5[%get3A_26, %get3A_27] : memref<128x64xf32, #tpu.memory_space<vmem>>, vector<128x64xf32>
    %dot_general3A_29 = arith.constant dense<0.000000e+00> : vector<3072x64xf32>
    %dot_general3A_30 = tpu.matmul %select_n3A, %get3A_28, %dot_general3A_29 {dimension_numbers = #tpu.dot_dimension_numbers<[1], [0], [0], [1], [0, 0, 1, 1], [], []>, transpose_lhs_hint = false} : vector<3072x128xf32>, vector<128x64xf32>, vector<3072x64xf32> -> vector<3072x64xf32>
    %get3A_31 = arith.constant 0 : index
    %get3A_32 = arith.constant 0 : index
    %get3A_33 = vector.load %arg7[%get3A_31, %get3A_32] : memref<1x64xf32, #tpu.memory_space<vmem>>, vector<1x64xf32>
    %add3A_34 = vector.broadcast %get3A_33 : vector<1x64xf32> to vector<3072x64xf32>
    %add3A_35 = arith.addf %dot_general3A_30, %add3A_34 : vector<3072x64xf32>
    %swap3A = arith.constant 0 : index
    %swap3A_36 = arith.constant 0 : index
    %swap3A_37 = vector.load %arg8[%swap3A, %swap3A_36] : memref<3072x64xf32, #tpu.memory_space<vmem>>, vector<3072x64xf32>
    tpu.vector_store %arg8[%swap3A, %swap3A_36], %add3A_25 {strides = array<i32>} : memref<3072x64xf32, #tpu.memory_space<vmem>>, vector<3072x64xf32>,
    %swap3A_38 = arith.constant 0 : index
    %swap3A_39 = arith.constant 0 : index
    %swap3A_40 = vector.load %arg9[%swap3A_38, %swap3A_39] : memref<3072x64xf32, #tpu.memory_space<vmem>>, vector<3072x64xf32>
    tpu.vector_store %arg9[%swap3A_38, %swap3A_39], %add3A_35 {strides = array<i32>} : memref<3072x64xf32, #tpu.memory_space<vmem>>, vector<3072x64xf32>,
    %get3A_41 = arith.constant 0 : index
    %get3A_42 = arith.constant 0 : index
    %get3A_43 = vector.load %arg10[%get3A_41, %get3A_42] : memref<1x64xf32, #tpu.memory_space<vmem>>, vector<1x64xf32>
    %reduce_sum3A = arith.constant dense<0.000000e+00> : vector<64xf32>
    %reduce_sum3A_44 = vector.multi_reduction <add>, %add3A_25, %reduce_sum3A [0] : vector<3072x64xf32> to vector<64xf32>
    %broadcast_in_dim3A = vector.shape_cast %reduce_sum3A_44 : vector<64xf32> to vector<1x64xf32>
    %add3A_45 = arith.addf %get3A_43, %broadcast_in_dim3A : vector<1x64xf32>
    %swap3A_46 = arith.constant 0 : index
    %swap3A_47 = arith.constant 0 : index
    %swap3A_48 = vector.load %arg10[%swap3A_46, %swap3A_47] : memref<1x64xf32, #tpu.memory_space<vmem>>, vector<1x64xf32>
    tpu.vector_store %arg10[%swap3A_46, %swap3A_47], %add3A_45 {strides = array<i32>} : memref<1x64xf32, #tpu.memory_space<vmem>>, vector<1x64xf32>,
    %get3A_49 = arith.constant 0 : index
    %get3A_50 = arith.constant 0 : index
    %get3A_51 = vector.load %arg11[%get3A_49, %get3A_50] : memref<1x64xf32, #tpu.memory_space<vmem>>, vector<1x64xf32>
    %reduce_sum3A_52 = arith.constant dense<0.000000e+00> : vector<64xf32>
    %reduce_sum3A_53 = vector.multi_reduction <add>, %add3A_35, %reduce_sum3A_52 [0] : vector<3072x64xf32> to vector<64xf32>
    %broadcast_in_dim3A_54 = vector.shape_cast %reduce_sum3A_53 : vector<64xf32> to vector<1x64xf32>
    %add3A_55 = arith.addf %get3A_51, %broadcast_in_dim3A_54 : vector<1x64xf32>
    %swap3A_56 = arith.constant 0 : index
    %swap3A_57 = arith.constant 0 : index
    %swap3A_58 = vector.load %arg11[%swap3A_56, %swap3A_57] : memref<1x64xf32, #tpu.memory_space<vmem>>, vector<1x64xf32>
    tpu.vector_store %arg11[%swap3A_56, %swap3A_57], %add3A_55 {strides = array<i32>} : memref<1x64xf32, #tpu.memory_space<vmem>>, vector<1x64xf32>,
    %get3A_59 = arith.constant 0 : index
    %get3A_60 = arith.constant 0 : index
    %get3A_61 = vector.load %arg12[%get3A_59, %get3A_60] : memref<1x64xf32, #tpu.memory_space<vmem>>, vector<1x64xf32>
    %mul3A_62 = arith.mulf %add3A_25, %add3A_25 : vector<3072x64xf32>
    %reduce_sum3A_63 = arith.constant dense<0.000000e+00> : vector<64xf32>
    %reduce_sum3A_64 = vector.multi_reduction <add>, %mul3A_62, %reduce_sum3A_63 [0] : vector<3072x64xf32> to vector<64xf32>
    %broadcast_in_dim3A_65 = vector.shape_cast %reduce_sum3A_64 : vector<64xf32> to vector<1x64xf32>
    %add3A_66 = arith.addf %get3A_61, %broadcast_in_dim3A_65 : vector<1x64xf32>
    %swap3A_67 = arith.constant 0 : index
    %swap3A_68 = arith.constant 0 : index
    %swap3A_69 = vector.load %arg12[%swap3A_67, %swap3A_68] : memref<1x64xf32, #tpu.memory_space<vmem>>, vector<1x64xf32>
    tpu.vector_store %arg12[%swap3A_67, %swap3A_68], %add3A_66 {strides = array<i32>} : memref<1x64xf32, #tpu.memory_space<vmem>>, vector<1x64xf32>,
    %get3A_70 = arith.constant 0 : index
    %get3A_71 = arith.constant 0 : index
    %get3A_72 = vector.load %arg13[%get3A_70, %get3A_71] : memref<1x64xf32, #tpu.memory_space<vmem>>, vector<1x64xf32>
    %mul3A_73 = arith.mulf %add3A_35, %add3A_35 : vector<3072x64xf32>
    %reduce_sum3A_74 = arith.constant dense<0.000000e+00> : vector<64xf32>
    %reduce_sum3A_75 = vector.multi_reduction <add>, %mul3A_73, %reduce_sum3A_74 [0] : vector<3072x64xf32> to vector<64xf32>
    %broadcast_in_dim3A_76 = vector.shape_cast %reduce_sum3A_75 : vector<64xf32> to vector<1x64xf32>
    %add3A_77 = arith.addf %get3A_72, %broadcast_in_dim3A_76 : vector<1x64xf32>
    %swap3A_78 = arith.constant 0 : index
    %swap3A_79 = arith.constant 0 : index
    %swap3A_80 = vector.load %arg13[%swap3A_78, %swap3A_79] : memref<1x64xf32, #tpu.memory_space<vmem>>, vector<1x64xf32>
    tpu.vector_store %arg13[%swap3A_78, %swap3A_79], %add3A_77 {strides = array<i32>} : memref<1x64xf32, #tpu.memory_space<vmem>>, vector<1x64xf32>,
    return
  }
  func.func @transform_0(%arg0: i32) -> (i32, i32) {
    %c0_i32 = arith.constant 0 : i32
    %c0_i32_0 = arith.constant 0 : i32
    return %arg0, %c0_i32 : i32, i32
  }
  func.func @transform_1(%arg0: i32) -> (i32, i32) {
    %c0_i32 = arith.constant 0 : i32
    %c0_i32_0 = arith.constant 0 : i32
    %c0_i32_1 = arith.constant 0 : i32
    return %c0_i32, %c0_i32_0 : i32, i32
  }
  func.func @transform_2(%arg0: i32) -> (i32, i32) {
    %c0_i32 = arith.constant 0 : i32
    %c0_i32_0 = arith.constant 0 : i32
    %c0_i32_1 = arith.constant 0 : i32
    return %c0_i32, %c0_i32_0 : i32, i32
  }
  func.func @transform_3(%arg0: i32) -> (i32, i32) {
    %c0_i32 = arith.constant 0 : i32
    %c0_i32_0 = arith.constant 0 : i32
    %c0_i32_1 = arith.constant 0 : i32
    return %c0_i32, %c0_i32_0 : i32, i32
  }
  func.func @transform_4(%arg0: i32) -> (i32, i32) {
    %c0_i32 = arith.constant 0 : i32
    %c0_i32_0 = arith.constant 0 : i32
    %c0_i32_1 = arith.constant 0 : i32
    return %c0_i32, %c0_i32_0 : i32, i32
  }
  func.func @transform_5(%arg0: i32) -> (i32, i32) {
    %c0_i32 = arith.constant 0 : i32
    %c0_i32_0 = arith.constant 0 : i32
    %c0_i32_1 = arith.constant 0 : i32
    return %c0_i32, %c0_i32_0 : i32, i32
  }
  func.func @transform_6(%arg0: i32) -> (i32, i32) {
    %c0_i32 = arith.constant 0 : i32
    %c0_i32_0 = arith.constant 0 : i32
    %c0_i32_1 = arith.constant 0 : i32
    return %c0_i32, %c0_i32_0 : i32, i32
  }
  func.func @transform_7(%arg0: i32) -> (i32, i32) {
    %c0_i32 = arith.constant 0 : i32
    %c0_i32_0 = arith.constant 0 : i32
    return %arg0, %c0_i32 : i32, i32
  }
  func.func @transform_8(%arg0: i32) -> (i32, i32) {
    %c0_i32 = arith.constant 0 : i32
    %c0_i32_0 = arith.constant 0 : i32
    return %arg0, %c0_i32 : i32, i32
  }
  func.func @transform_9(%arg0: i32) -> (i32, i32) {
    %c0_i32 = arith.constant 0 : i32
    %c0_i32_0 = arith.constant 0 : i32
    %c0_i32_1 = arith.constant 0 : i32
    return %c0_i32, %c0_i32_0 : i32, i32
  }
  func.func @transform_10(%arg0: i32) -> (i32, i32) {
    %c0_i32 = arith.constant 0 : i32
    %c0_i32_0 = arith.constant 0 : i32
    %c0_i32_1 = arith.constant 0 : i32
    return %c0_i32, %c0_i32_0 : i32, i32
  }
  func.func @transform_11(%arg0: i32) -> (i32, i32) {
    %c0_i32 = arith.constant 0 : i32
    %c0_i32_0 = arith.constant 0 : i32
    %c0_i32_1 = arith.constant 0 : i32
    return %c0_i32, %c0_i32_0 : i32, i32
  }
  func.func @transform_12(%arg0: i32) -> (i32, i32) {
    %c0_i32 = arith.constant 0 : i32
    %c0_i32_0 = arith.constant 0 : i32
    %c0_i32_1 = arith.constant 0 : i32
    return %c0_i32, %c0_i32_0 : i32, i32
  }
}

module attributes {stable_mosaic.version = 14 : i64} {
  func.func @_p5_body(%arg0: i32, %arg1: i32, %arg2: memref<3072x64xf32, #tpu.memory_space<vmem>>, %arg3: memref<3072x64xf32, #tpu.memory_space<vmem>>, %arg4: memref<1x64xf32, #tpu.memory_space<vmem>>, %arg5: memref<1x64xf32, #tpu.memory_space<vmem>>, %arg6: memref<1x64xf32, #tpu.memory_space<vmem>>, %arg7: memref<1x64xf32, #tpu.memory_space<vmem>>, %arg8: memref<1x128x24x64xf32, #tpu.memory_space<vmem>>, %arg9: memref<1x128x64xf32, #tpu.memory_space<vmem>>, %arg10: memref<4xf32, #tpu.memory_space<smem>>, %arg11: memref<1x64xf32, #tpu.memory_space<vmem>>, %arg12: memref<1x64xf32, #tpu.memory_space<vmem>>, %arg13: memref<1x128x64xf32, #tpu.memory_space<vmem>>, %arg14: memref<1x128x64xf32, #tpu.memory_space<vmem>>) attributes {dimension_semantics = [#tpu.dimension_semantics<arbitrary>, #tpu.dimension_semantics<arbitrary>], iteration_bounds = array<i64: 4, 8>, scalar_prefetch = 0 : i64, scratch_operands = 0 : i64, tpu.core_type = #tpu.core_type<tc>, window_params = [{transform_indices = @transform_0, window_bounds = array<i64: 3072, 64>}, {transform_indices = @transform_1, window_bounds = array<i64: 3072, 64>}, {pipeline_mode = #tpu.pipeline_mode<synchronous>, transform_indices = @transform_2, window_bounds = array<i64: 1, 64>}, {pipeline_mode = #tpu.pipeline_mode<synchronous>, transform_indices = @transform_3, window_bounds = array<i64: 1, 64>}, {pipeline_mode = #tpu.pipeline_mode<synchronous>, transform_indices = @transform_4, window_bounds = array<i64: 1, 64>}, {pipeline_mode = #tpu.pipeline_mode<synchronous>, transform_indices = @transform_5, window_bounds = array<i64: 1, 64>}, {transform_indices = @transform_6, window_bounds = array<i64: 1, 128, 24, 64>}, {transform_indices = @transform_7, window_bounds = array<i64: 1, 128, 64>}, {transform_indices = @transform_8, window_bounds = array<i64: 4>}, {pipeline_mode = #tpu.pipeline_mode<synchronous>, transform_indices = @transform_9, window_bounds = array<i64: 1, 64>}, {pipeline_mode = #tpu.pipeline_mode<synchronous>, transform_indices = @transform_10, window_bounds = array<i64: 1, 64>}, {transform_indices = @transform_11, window_bounds = array<i64: 1, 128, 64>}, {transform_indices = @transform_12, window_bounds = array<i64: 1, 128, 64>}]} {
    %get3A = arith.constant 0 : index
    %get3A_0 = arith.constant 0 : index
    %get3A_1 = arith.constant 0 : index
    %get3A_2 = arith.constant 0 : index
    %get3A_3 = vector.load %arg8[%get3A, %get3A_0, %get3A_1, %get3A_2] : memref<1x128x24x64xf32, #tpu.memory_space<vmem>>, vector<1x128x24x64xf32>
    %get3A_4 = vector.shape_cast %get3A_3 : vector<1x128x24x64xf32> to vector<128x24x64xf32>
    %reduce_sum3A = arith.constant dense<0.000000e+00> : vector<128x64xf32>
    %reduce_sum3A_5 = vector.multi_reduction <add>, %get3A_4, %reduce_sum3A [1] : vector<128x24x64xf32> to vector<128x64xf32>
    %broadcast_in_dim3A = vector.shape_cast %reduce_sum3A_5 : vector<128x64xf32> to vector<128x1x64xf32>
    %div3A = arith.constant 2.400000e+01 : f32
    %div3A_6 = vector.broadcast %div3A : f32 to vector<128x1x64xf32>
    %div3A_7 = arith.divf %broadcast_in_dim3A, %div3A_6 : vector<128x1x64xf32>
    %sub3A = vector.broadcast %div3A_7 : vector<128x1x64xf32> to vector<128x24x64xf32>
    %sub3A_8 = arith.subf %get3A_4, %sub3A : vector<128x24x64xf32>
    %get3A_9 = arith.index_cast %arg0 : i32 to index
    %get3A_10 = memref.load %arg10[%get3A_9] : memref<4xf32, #tpu.memory_space<smem>>
    %get3A_11 = arith.constant 0 : index
    %get3A_12 = arith.constant 0 : index
    %get3A_13 = vector.load %arg11[%get3A_11, %get3A_12] : memref<1x64xf32, #tpu.memory_space<vmem>>, vector<1x64xf32>
    %reshape3A = vector.shape_cast %get3A_13 : vector<1x64xf32> to vector<1x1x64xf32>
    %get3A_14 = arith.constant 0 : index
    %get3A_15 = arith.constant 0 : index
    %get3A_16 = vector.load %arg12[%get3A_14, %get3A_15] : memref<1x64xf32, #tpu.memory_space<vmem>>, vector<1x64xf32>
    %reshape3A_17 = vector.shape_cast %get3A_16 : vector<1x64xf32> to vector<1x1x64xf32>
    %div3A_18 = vector.broadcast %get3A_10 : f32 to vector<128x24x64xf32>
    %div3A_19 = arith.divf %sub3A_8, %div3A_18 : vector<128x24x64xf32>
    %mul3A = vector.broadcast %reshape3A : vector<1x1x64xf32> to vector<128x24x64xf32>
    %mul3A_20 = arith.mulf %mul3A, %div3A_19 : vector<128x24x64xf32>
    %add3A = vector.broadcast %reshape3A_17 : vector<1x1x64xf32> to vector<128x24x64xf32>
    %add3A_21 = arith.addf %mul3A_20, %add3A : vector<128x24x64xf32>
    %reshape3A_22 = vector.shape_cast %add3A_21 : vector<128x24x64xf32> to vector<3072x64xf32>
    %get3A_23 = arith.constant 0 : index
    %get3A_24 = arith.constant 0 : index
    %get3A_25 = arith.constant 0 : index
    %get3A_26 = vector.load %arg9[%get3A_23, %get3A_24, %get3A_25] : memref<1x128x64xf32, #tpu.memory_space<vmem>>, vector<1x128x64xf32>
    %get3A_27 = vector.shape_cast %get3A_26 : vector<1x128x64xf32> to vector<128x64xf32>
    %broadcast_in_dim3A_28 = vector.shape_cast %get3A_27 : vector<128x64xf32> to vector<128x1x64xf32>
    %broadcast_in_dim3A_29 = vector.shape_cast %broadcast_in_dim3A_28 : vector<128x1x64xf32> to vector<128x1x64xf32>
    %broadcast_in_dim3A_30 = vector.broadcast %broadcast_in_dim3A_29 : vector<128x1x64xf32> to vector<128x24x64xf32>
    %reshape3A_31 = vector.shape_cast %broadcast_in_dim3A_30 : vector<128x24x64xf32> to vector<3072x64xf32>
    %get3A_32 = arith.constant 0 : index
    %get3A_33 = arith.constant 0 : index
    %get3A_34 = vector.load %arg4[%get3A_32, %get3A_33] : memref<1x64xf32, #tpu.memory_space<vmem>>, vector<1x64xf32>
    %get3A_35 = arith.constant 0 : index
    %get3A_36 = arith.constant 0 : index
    %get3A_37 = vector.load %arg2[%get3A_35, %get3A_36] : memref<3072x64xf32, #tpu.memory_space<vmem>>, vector<3072x64xf32>
    %mul3A_38 = vector.broadcast %get3A_34 : vector<1x64xf32> to vector<3072x64xf32>
    %mul3A_39 = arith.mulf %mul3A_38, %get3A_37 : vector<3072x64xf32>
    %get3A_40 = arith.constant 0 : index
    %get3A_41 = arith.constant 0 : index
    %get3A_42 = vector.load %arg5[%get3A_40, %get3A_41] : memref<1x64xf32, #tpu.memory_space<vmem>>, vector<1x64xf32>
    %add3A_43 = vector.broadcast %get3A_42 : vector<1x64xf32> to vector<3072x64xf32>
    %add3A_44 = arith.addf %mul3A_39, %add3A_43 : vector<3072x64xf32>
    %add3A_45 = arith.addf %add3A_44, %reshape3A_22 : vector<3072x64xf32>
    %get3A_46 = arith.constant 0 : index
    %get3A_47 = arith.constant 0 : index
    %get3A_48 = vector.load %arg6[%get3A_46, %get3A_47] : memref<1x64xf32, #tpu.memory_space<vmem>>, vector<1x64xf32>
    %get3A_49 = arith.constant 0 : index
    %get3A_50 = arith.constant 0 : index
    %get3A_51 = vector.load %arg3[%get3A_49, %get3A_50] : memref<3072x64xf32, #tpu.memory_space<vmem>>, vector<3072x64xf32>
    %mul3A_52 = vector.broadcast %get3A_48 : vector<1x64xf32> to vector<3072x64xf32>
    %mul3A_53 = arith.mulf %mul3A_52, %get3A_51 : vector<3072x64xf32>
    %get3A_54 = arith.constant 0 : index
    %get3A_55 = arith.constant 0 : index
    %get3A_56 = vector.load %arg7[%get3A_54, %get3A_55] : memref<1x64xf32, #tpu.memory_space<vmem>>, vector<1x64xf32>
    %add3A_57 = vector.broadcast %get3A_56 : vector<1x64xf32> to vector<3072x64xf32>
    %add3A_58 = arith.addf %mul3A_53, %add3A_57 : vector<3072x64xf32>
    %add3A_59 = arith.addf %add3A_58, %reshape3A_31 : vector<3072x64xf32>
    %ge3A = arith.constant 0.000000e+00 : f32
    %ge3A_60 = vector.broadcast %ge3A : f32 to vector<3072x64xf32>
    %ge3A_61 = arith.cmpf oge, %add3A_45, %ge3A_60 : vector<3072x64xf32>
    %mul3A_62 = arith.constant 0.00999999977 : f32
    %mul3A_63 = vector.broadcast %mul3A_62 : f32 to vector<3072x64xf32>
    %mul3A_64 = arith.mulf %mul3A_63, %add3A_45 : vector<3072x64xf32>
    %select_n3A = arith.select %ge3A_61, %add3A_45, %mul3A_64 : vector<3072x64xi1>, vector<3072x64xf32>
    %reshape3A_65 = vector.shape_cast %select_n3A : vector<3072x64xf32> to vector<128x24x64xf32>
    %ge3A_66 = arith.constant 0.000000e+00 : f32
    %ge3A_67 = vector.broadcast %ge3A_66 : f32 to vector<3072x64xf32>
    %ge3A_68 = arith.cmpf oge, %add3A_59, %ge3A_67 : vector<3072x64xf32>
    %mul3A_69 = arith.constant 0.00999999977 : f32
    %mul3A_70 = vector.broadcast %mul3A_69 : f32 to vector<3072x64xf32>
    %mul3A_71 = arith.mulf %mul3A_70, %add3A_59 : vector<3072x64xf32>
    %select_n3A_72 = arith.select %ge3A_68, %add3A_59, %mul3A_71 : vector<3072x64xi1>, vector<3072x64xf32>
    %reshape3A_73 = vector.shape_cast %select_n3A_72 : vector<3072x64xf32> to vector<128x24x64xf32>
    %reduce_max3A = arith.constant dense<0xFF800000> : vector<128x64xf32>
    %reduce_max3A_74 = vector.multi_reduction <maximumf>, %reshape3A_65, %reduce_max3A [1] : vector<128x24x64xf32> to vector<128x64xf32>
    %swap3A = arith.constant 0 : index
    %swap3A_75 = arith.constant 0 : index
    %swap3A_76 = arith.constant 0 : index
    %swap3A_77 = vector.load %arg13[%swap3A, %swap3A_75, %swap3A_76] : memref<1x128x64xf32, #tpu.memory_space<vmem>>, vector<1x128x64xf32>
    %swap3A_78 = vector.shape_cast %swap3A_77 : vector<1x128x64xf32> to vector<128x64xf32>
    %swap3A_79 = vector.shape_cast %reduce_max3A_74 : vector<128x64xf32> to vector<1x128x64xf32>
    tpu.vector_store %arg13[%swap3A, %swap3A_75, %swap3A_76], %swap3A_79 {strides = array<i32>} : memref<1x128x64xf32, #tpu.memory_space<vmem>>, vector<1x128x64xf32>,
    %reduce_max3A_80 = arith.constant dense<0xFF800000> : vector<128x64xf32>
    %reduce_max3A_81 = vector.multi_reduction <maximumf>, %reshape3A_73, %reduce_max3A_80 [1] : vector<128x24x64xf32> to vector<128x64xf32>
    %swap3A_82 = arith.constant 0 : index
    %swap3A_83 = arith.constant 0 : index
    %swap3A_84 = arith.constant 0 : index
    %swap3A_85 = vector.load %arg14[%swap3A_82, %swap3A_83, %swap3A_84] : memref<1x128x64xf32, #tpu.memory_space<vmem>>, vector<1x128x64xf32>
    %swap3A_86 = vector.shape_cast %swap3A_85 : vector<1x128x64xf32> to vector<128x64xf32>
    %swap3A_87 = vector.shape_cast %reduce_max3A_81 : vector<128x64xf32> to vector<1x128x64xf32>
    tpu.vector_store %arg14[%swap3A_82, %swap3A_83, %swap3A_84], %swap3A_87 {strides = array<i32>} : memref<1x128x64xf32, #tpu.memory_space<vmem>>, vector<1x128x64xf32>,
    return
  }
  func.func @transform_0(%arg0: i32, %arg1: i32) -> (i32, i32) {
    %mul3A = arith.constant 8 : i32
    %mul3A_0 = arith.muli %arg0, %mul3A : i32
    %add3A = arith.addi %mul3A_0, %arg1 : i32
    %c0_i32 = arith.constant 0 : i32
    %c0_i32_1 = arith.constant 0 : i32
    return %add3A, %c0_i32 : i32, i32
  }
  func.func @transform_1(%arg0: i32, %arg1: i32) -> (i32, i32) {
    %mul3A = arith.constant 8 : i32
    %mul3A_0 = arith.muli %arg0, %mul3A : i32
    %add3A = arith.addi %mul3A_0, %arg1 : i32
    %c0_i32 = arith.constant 0 : i32
    %c0_i32_1 = arith.constant 0 : i32
    return %add3A, %c0_i32 : i32, i32
  }
  func.func @transform_2(%arg0: i32, %arg1: i32) -> (i32, i32) {
    %c0_i32 = arith.constant 0 : i32
    %c0_i32_0 = arith.constant 0 : i32
    %c0_i32_1 = arith.constant 0 : i32
    return %c0_i32, %c0_i32_0 : i32, i32
  }
  func.func @transform_3(%arg0: i32, %arg1: i32) -> (i32, i32) {
    %c0_i32 = arith.constant 0 : i32
    %c0_i32_0 = arith.constant 0 : i32
    %c0_i32_1 = arith.constant 0 : i32
    return %c0_i32, %c0_i32_0 : i32, i32
  }
  func.func @transform_4(%arg0: i32, %arg1: i32) -> (i32, i32) {
    %c0_i32 = arith.constant 0 : i32
    %c0_i32_0 = arith.constant 0 : i32
    %c0_i32_1 = arith.constant 0 : i32
    return %c0_i32, %c0_i32_0 : i32, i32
  }
  func.func @transform_5(%arg0: i32, %arg1: i32) -> (i32, i32) {
    %c0_i32 = arith.constant 0 : i32
    %c0_i32_0 = arith.constant 0 : i32
    %c0_i32_1 = arith.constant 0 : i32
    return %c0_i32, %c0_i32_0 : i32, i32
  }
  func.func @transform_6(%arg0: i32, %arg1: i32) -> (i32, i32, i32, i32) {
    %c0_i32 = arith.constant 0 : i32
    %c0_i32_0 = arith.constant 0 : i32
    %c0_i32_1 = arith.constant 0 : i32
    return %arg0, %arg1, %c0_i32, %c0_i32_0 : i32, i32, i32, i32
  }
  func.func @transform_7(%arg0: i32, %arg1: i32) -> (i32, i32, i32) {
    %c0_i32 = arith.constant 0 : i32
    %c0_i32_0 = arith.constant 0 : i32
    return %arg0, %arg1, %c0_i32 : i32, i32, i32
  }
  func.func @transform_8(%arg0: i32, %arg1: i32) -> i32 {
    %c0_i32 = arith.constant 0 : i32
    %c0_i32_0 = arith.constant 0 : i32
    return %c0_i32 : i32
  }
  func.func @transform_9(%arg0: i32, %arg1: i32) -> (i32, i32) {
    %c0_i32 = arith.constant 0 : i32
    %c0_i32_0 = arith.constant 0 : i32
    %c0_i32_1 = arith.constant 0 : i32
    return %c0_i32, %c0_i32_0 : i32, i32
  }
  func.func @transform_10(%arg0: i32, %arg1: i32) -> (i32, i32) {
    %c0_i32 = arith.constant 0 : i32
    %c0_i32_0 = arith.constant 0 : i32
    %c0_i32_1 = arith.constant 0 : i32
    return %c0_i32, %c0_i32_0 : i32, i32
  }
  func.func @transform_11(%arg0: i32, %arg1: i32) -> (i32, i32, i32) {
    %c0_i32 = arith.constant 0 : i32
    %c0_i32_0 = arith.constant 0 : i32
    return %arg0, %arg1, %c0_i32 : i32, i32, i32
  }
  func.func @transform_12(%arg0: i32, %arg1: i32) -> (i32, i32, i32) {
    %c0_i32 = arith.constant 0 : i32
    %c0_i32_0 = arith.constant 0 : i32
    return %arg0, %arg1, %c0_i32 : i32, i32, i32
  }
}

</mosaic_0001>

<sc_bundles>
// kernel: kernel.9.cloned.1.call-start
scs
__scs_entry_jumppad:
0x0: {  	(pc) =	sbr.rel $0x88, $3  }
0x1: {  	(tag) =	ssettag $0x0;
	lr =	simm.s32 $0x1  }
0x2: {  	[smem:$0x3F95] =	sst lr;
	_ =	strace $0xD0000000  }
0x3: {  	_ = 	snop  }
0x4: {  	_ = 	snop  }
0x5: {  	_ = 	snop  }
0x6: {  	_ = 	snop  }
0x7: {  	_ = 	snop  }
__scs_overlays_trampoline_lowered:
0x8: {  	[smem:$0x3FA4] =	sst s0  }
0x9: {  	[smem:$0x3FA5] =	sst s1  }
0xa: {  	[smem:$0x3FA6] =	sst s2  }
0xb: {  	[smem:$0x3FA7] =	sst s3  }
0xc: {  	[smem:$0x3FA8] =	sst s4  }
0xd: {  	[smem:$0x3FA9] =	sst s5  }
0xe: {  	[smem:$0x3FAA] =	sst s6  }
0xf: {  	[smem:$0x3FAB] =	sst s7  }
0x10: {  	[smem:$0x3FAC] =	sst s8  }
0x11: {  	[smem:$0x3FAD] =	sst s9;
	s0 =	simm.s32 @!p0 $0x0  }
0x12: {  	s1 =	sld [smem:$0x3F93];
	s0 =	simm.s32 @p0 $0x1  }
0x13: {  	[smem:$0x3FAE] =	sst s0;
	s0 =	simm.s32 @!p1 $0x0  }
0x14: {  	s2 =	sld [smem:$0x3F92];
	s0 =	simm.s32 @p1 $0x1  }
0x15: {  	[smem:$0x3FAF] =	sst s0;
	s0 =	simm.s32 @!p2 $0x0  }
0x16: {  	s3 =	sld [smem:$0x3FDB];
	s0 =	simm.s32 @p2 $0x1  }
0x17: {  	s4 =	simm.s32 $0x1BF5;
	[smem:$0x3FB1] =	sst s0  }
0x18: {  	s0 =	sld [smem:$0x3F94];
	_ =	swait.ge [sflag:s4], $0x0  }
0x19: {  	s7 =	sld [smem:$0x3F95]  }
0x1a: {  	s8 =	sadd.s32 $0xFFFFE003, lr  }
0x1b: {  	s9 =	sadd.s32 $0xFFFFFEF7, lr;
	s5 =	simm.s32 $0xFFFFFFFF;
	p2 =	slt.u32 s8, $0xFFFFF086  }
0x1c: {  	p1 =	slt.u32 s9, $0xF7A;
	s5 =	simm.s32 @!p2 $0x0  }
0x1d: {  	s5 =	simm.s32 @p1 $0x1;
	p0 =	seq.s32 s7, s2  }
0x1e: {  	s7 =	smul.u32 @!p0 $0xF7A, s2;
	p2 =	seq.s32 @!p0 s5, $0x0  }
0x1f: {  	s9 =	smul.u32 $0xF7A, s1;
	s8 =	simm.s32 @!p0 $0x1BF5;
	p2 =	por !p2, p0  }
0x20: {  	[sflag:s8] =	ssyncset.s32 @!p0 $0xFFFFF086;
	s6 =	sadd.s32 @!p0 s3, s7;
	s7 =	simm.s32 @!p0 $0x108  }
0x21: {  	s3 =	sadd.s32 s3, s9;
	s6 =	sadd.s32 @!p0 $0x88, s6;
	s7 =	simm.s32 @p2 $0x1082  }
0x22: {  	[simem:s7], [sflag:s8] =	dma.local @!p0 [hbm:s6], $0xF7A  }
0x23: {  	s9 =	sor.u32 $0xD0000000, s2;
	s6 =	simm.s32 $0x108;
	_ =	swait.ge @!p0 [sflag:s8], $0x0  }
0x24: {  	s3 =	sadd.s32 $0x88, s3;
	s6 =	simm.s32 @!p1 $0x1082;
	[sflag:s4] =	ssyncset.s32 $0xFFFFF086  }
0x25: {  	[simem:s6], [sflag:s4] =	dma.local [hbm:s3], $0xF7A  }
0x26: {  	[smem:$0x3F95] =	sst s1;
	(tag) =	ssettag s2;
	_ =	strace s9  }
0x27: {  	s1 =	sld [smem:$0x3FA5]  }
0x28: {  	s2 =	sld [smem:$0x3FA6]  }
0x29: {  	s4 =	sld [smem:$0x3FA8]  }
0x2a: {  	p0 =	seq.s32 s5, $0x0;
	s5 =	sld [smem:$0x3FA9]  }
0x2b: {  	s6 =	sld [smem:$0x3FAA]  }
0x2c: {  	s7 =	sld [smem:$0x3FAB]  }
0x2d: {  	s3 =	simm.s32 $0x108;
	s8 =	sld [smem:$0x3FAC]  }
0x2e: {  	s3 =	simm.s32 @!p0 $0x1082;
	s9 =	sld [smem:$0x3FAD]  }
0x2f: {  	lr =	sadd.s32 s0, s3;
	s0 =	sld [smem:$0x3FA4]  }
0x30: {  	s3 =	sld [smem:$0x3FA7]  }
0x31: {  	[smem:$0x3FB0] =	sst s10  }
0x32: {  	s10 =	sld [smem:$0x3FAE];
	_ =	sdelay $0x3  }
0x33: {  	p0 =	seq.s32 s10, $0x1;
	s10 =	sld [smem:$0x3FB0];
	_ =	sdelay $0x3  }
0x34: {  	[smem:$0x3FB0] =	sst s10  }
0x35: {  	s10 =	sld [smem:$0x3FAF];
	_ =	sdelay $0x3  }
0x36: {  	p1 =	seq.s32 s10, $0x1;
	s10 =	sld [smem:$0x3FB0];
	_ =	sdelay $0x3  }
0x37: {  	[smem:$0x3FB0] =	sst s10  }
0x38: {  	s10 =	sld [smem:$0x3FB1]  }
0x39: {  	_ = 	snop;
	(pc) =	sbr.ind lr, $3  }
0x3a: {  	_ = 	snop  }
0x3b: {  	_ = 	snop  }
0x3c: {  	p2 =	seq.s32 s10, $0x1;
	s10 =	sld [smem:$0x3FB0]  }
0x3d: {  	_ =	shalt  }
0x3e: {  	_ =	shalt  }
0x3f: {  	_ =	shalt  }
0x40: {  	_ =	shalt  }
0x41: {  	_ =	shalt  }
0x42: {  	_ =	shalt  }
0x43: {  	_ =	shalt  }
0x44: {  	_ =	shalt  }
0x45: {  	_ =	shalt  }
0x46: {  	_ =	shalt  }
0x47: {  	_ =	shalt  }
0x48: {  	_ =	shalt  }
0x49: {  	_ =	shalt  }
0x4a: {  	_ =	shalt  }
0x4b: {  	_ =	shalt  }
0x4c: {  	_ =	shalt  }
0x4d: {  	_ =	shalt  }
0x4e: {  	_ =	shalt  }
0x4f: {  	_ =	shalt  }
0x50: {  	_ =	shalt  }
0x51: {  	_ =	shalt  }
0x52: {  	_ =	shalt  }
0x53: {  	_ =	shalt  }
0x54: {  	_ =	shalt  }
0x55: {  	_ =	shalt  }
0x56: {  	_ =	shalt  }
0x57: {  	_ =	shalt  }
0x58: {  	_ =	shalt  }
0x59: {  	_ =	shalt  }
0x5a: {  	_ =	shalt  }
0x5b: {  	_ =	shalt  }
0x5c: {  	_ =	shalt  }
0x5d: {  	_ =	shalt  }
0x5e: {  	_ =	shalt  }
0x5f: {  	_ =	shalt  }
0x60: {  	_ =	shalt  }
0x61: {  	_ =	shalt  }
0x62: {  	_ =	shalt  }
0x63: {  	_ =	shalt  }
0x64: {  	_ =	shalt  }
0x65: {  	_ =	shalt  }
0x66: {  	_ =	shalt  }
0x67: {  	_ =	shalt  }
0x68: {  	_ =	shalt  }
0x69: {  	_ =	shalt  }
0x6a: {  	_ =	shalt  }
0x6b: {  	_ =	shalt  }
0x6c: {  	_ =	shalt  }
0x6d: {  	_ =	shalt  }
0x6e: {  	_ =	shalt  }
0x6f: {  	_ =	shalt  }
0x70: {  	_ =	shalt  }
0x71: {  	_ =	shalt  }
0x72: {  	_ =	shalt  }
0x73: {  	_ =	shalt  }
0x74: {  	_ =	shalt  }
0x75: {  	_ =	shalt  }
0x76: {  	_ =	shalt  }
0x77: {  	_ =	shalt  }
0x78: {  	_ =	shalt  }
0x79: {  	_ =	shalt  }
0x7a: {  	_ =	shalt  }
0x7b: {  	_ =	shalt  }
0x7c: {  	_ =	shalt  }
0x7d: {  	_ =	shalt  }
0x7e: {  	_ =	shalt  }
0x7f: {  	_ =	shalt  }
0x80: {  	_ =	shalt  }
0x81: {  	_ =	shalt  }
0x82: {  	_ =	shalt  }
0x83: {  	_ =	shalt  }
0x84: {  	_ =	shalt  }
0x85: {  	_ =	shalt  }
0x86: {  	_ =	shalt  }
0x87: {  	_ =	shalt  }
.Lfunc_end0:
.L_simem_size_0:
called_computation_lowered:
.L_overlay_start_0:
0x88: {  	s2 =	sld [smem:$0x3FD9]  }
0x89: {  	s3 =	sld [smem:$0x3FFE];
	_ =	sdelay $0x1  }
0x8a: {  	s1 =	srdreg.scid  }
0x8b: {  	s0 =	sand.u32 $0x1, s1  }
0x8c: {  	s14 =	sshll.u32 s0, $0xA;
	s2 =	sadd.s32 s3, s2  }
0x8d: {  	s2 =	sadd.s32 s2, s14  }
0x8e: {  	[smem:$0x3FBC] =	sst s2  }
0x8f: {  	_ = 	snop  }
0x90: {  	s2 =	sld [smem:$0x3FD0];
	_ =	sdelay $0x2  }
0x91: {  	s15 =	simm.s32 $0xA;
	s4 =	simm.s32 $0x10  }
0x92: {  	[smem:s4], [sflag:s15] =	dma.local [hbm:s2], $0x1  }
0x93: {  	_ =	swait.eq [sflag:s15], $0x1  }
0x94: {  	[sflag:s15] =	ssyncset.done $0x0  }
0x95: {  	[sflag:s15] =	ssyncadd.s32 $0xFFFFFFFF  }
0x96: {  	s16 =	sld [smem:$0x11];
	(tm) =	ssettm $0x1  }
0x97: {  	s17 =	sld [smem:$0x3FFB];
	_ =	sdelay $0x3  }
0x98: {  	_ =	strace s17  }
0x99: {  	s3 =	sld [smem:$0x3FFC];
	_ =	sdelay $0x3  }
0x9a: {  	_ =	strace s3  }
0x9b: {  	s3 =	sld [smem:$0x3FFD];
	_ =	sdelay $0x3  }
0x9c: {  	_ =	strace s3  }
0x9d: {  	_ =	strace $0x8FFFFFFF  }
0x9e: {  	s18 =	sld [smem:$0x3FDB];
	_ =	sdelay $0x1  }
0x9f: {  	s19 =	simm.s32 $_scs_section_size  }
0xa0: {  	s5 =	simm.s32 $_size__tile_overlayer_lowered;
	s6 =	simm.s32 $_tile_overlayer_lowered  }
0xa1: {  	s22 =	simm.s32 $0x1BFF;
	s21 =	sshll.u32 s6, $0x1;
	s3 =	sadd.s32 s19, s18  }
0xa2: {  	s7 =	simm.s32 $0x0;
	s20 =	sshll.u32 s5, $0x1;
	s5 =	sadd.s32 s21, s3  }
0xa3: {  	[timem:s7], [sflag:s22] =	dma.local [hbm:s5], s20  }
0xa4: {  	_ =	swait.ge [sflag:s22], s20  }
0xa5: {  	s4 =	ssub.s32 $0x0, s20;
	[sflag:s22] =	ssyncset.done $0x0  }
0xa6: {  	[sflag:s22] =	ssyncadd.s32 s4;
	_ =	sdelay $0x1  }
0xa7: {  	s23 =	simm.s32 $0x1B8B  }
0xa8: {  	_ =	swait.ge [sflag:s23], $0x1  }
0xa9: {  	[sflag:s23] =	ssyncset.done $0x0  }
0xaa: {  	s25 =	simm.s32 $0x1B8E;
	s24 =	sld [smem:$0x3FFE];
	[sflag:s23] =	ssyncadd.s32 $0xFFFFFFFF  }
0xab: {  	s26 =	simm.s32 $execute0_lowered;
	[smem:$0x3FD2] =	sst s25  }
0xac: {  	s5 =	sshll.u32 s26, $0x1;
	_ =	strace $0x80000046;
	[dreg:$0x1] =	wrdreg $0xFFFFFFFF  }
0xad: {  	s28 =	simm.s32 $_size_execute0_lowered;
	s3 =	sadd.s32 s3, s5;
	[dreg:$0x0] =	wrdreg $0x0  }
0xae: {  	s5 =	sshll.u32 s28, $0x1;
	[dreg:$0x2] =	wrdreg s3  }
0xaf: {  	[dreg:$0x3] =	wrdreg s5  }
0xb0: {  	[dreg:$0x4] =	wrdreg $0xC0  }
0xb1: {  	_ =	task [dreg:s7], $0x5FFFF  }
0xb2: {  	[dreg:$0x1] =	wrdreg $0xFFFFFFFF  }
0xb3: {  	[dreg:$0x0] =	wrdreg $0x60  }
0xb4: {  	[dreg:$0x2] =	wrdreg s24  }
0xb5: {  	[dreg:$0x3] =	wrdreg s16  }
0xb6: {  	[dreg:$0x4] =	wrdreg $0x9  }
0xb7: {  	_ =	task.clear_ibuf [dreg:s7], $0x5FFFF;
	_ =	strace $0x90000046  }
0xb8: {  	s29 =	simm.s32 $0x9;
	_ =	strace $0x80000048  }
0xb9: {  	_ =	swait.ge [sflag:s29], $0x1  }
0xba: {  	[sflag:s29] =	ssyncadd.s32 $0xFFFFFFFF  }
0xbb: {  	_ =	strace $0x90000048  }
0xbc: {  	_ =	sfence  }
0xbd: {  	s30 =	sld [smem:$0x0];
	_ =	sdelay $0x2  }
0xbe: {  	s31 =	sshll.u32 s1, $0xD;
	s1 =	sshrl.u32 s1, $0x2  }
0xbf: {  	s3 =	sand.u32 $0x4000, s31;
	s1 =	sadd.s32 s1, s30  }
0xc0: {  	s0 =	sor.u32 s3, s0;
	s1 =	sshll.u32 s1, $0x11  }
0xc1: {  	s0 =	sor.u32 s1, s0  }
0xc2: {  	s0 =	sadd.s32 $0x8F2B, s0  }
0xc3: {  	[sflag:s0] =	ssyncadd.remote.s32 $0x1  }
0xc4: {  	_ =	sfence.sel $0xFFFF  }
0xc5: {  	[dreg:$0x0] =	wrdreg $0xFFFFFFFF;
	(pc) =	sbr.abs _section_cstart, $3  }
0xc6: {  	[dreg:$0x1] =	wrdreg $0xFFFFFFFF  }
0xc7: {  	_ =	task.clear_ibuf [dreg:s7], $0x2FFFF;
	_ =	strace $0x9FFFFFFF  }
0xc8: {  	(tm) =	ssettm $0x7FFFFFFF  }
0xc9: {  	_ =	shalt  }
tec
execute0_lowered:
.L_overlay_start_1:
0x0: {  	(tag) =	ssettag $0x1  }
0x1: {  	s1 =	srdreg.scid;
	s0 =	stileid.u32  }
0x2: {  	s15 =	sand.u32 $0x1, s1;
	s26 =	sshll.u32 s0, $0x1  }
0x3: {  	s9 =	rddreg [dreg:$0x0];
	s10 =	sor.u32 s15, s26  }
0x4: {  	s14 =	rddreg [dreg:$0x1];
	s16 =	smul.u32 $0xC80, s10  }
0x5: {  	s2 =	simm.s32 $0x0;
	s1 =	rddreg [dreg:$0x2]  }
0x6: {  	[smem:$0x7FF] =	sst s2;
	s3 =	sshrl.u32 s16, $0x3  }
0x7: {  	_ =	strace $0x80000047;
	s4 =	sadd.s32 s14, s3;
	s3 =	simm.s32 $0x2  }
0x8: {  	[tilespmem:s2], [sflag:$0x2] =	stream.linear.gather [hbm4b:s4+s2], $0x320, $0x38;
	[tilespmem:$0x19380] =	vst v63  }
0x9: {  	_ =	swait.ge [sflag:s3], $0x320  }
0xa: {  	s6 =	simm.s32 $0x320;
	s7 =	simm.s32 $0x380;
	[sflag:s3] =	ssyncset.done $0x0  }
0xb: {  	s8 =	simm.s32 $0x1;
	s5 =	sadd.s32 $0x2C00, s9;
	[sflag:s3] =	ssyncadd.s32 $0xFFFFFCE0  }
0xc: {  	[tilespmem:s7], [sflag:$0x1] =	stream.indirect.gather [hbm4b:s5+s6], $0x80, s2, s6, $0xb8;
	[tilespmem:$0x19380] =	vst v63  }
0xd: {  	s10 =	smul.u32 $0xC800, s10;
	_ =	swait.ge [sflag:s8], $0x19000  }
0xe: {  	s17 =	sadd.s32 $0x82C00, s9;
	[sflag:s8] =	ssyncset.done $0x0  }
0xf: {  	s9 =	sadd.s32 s17, s10;
	[sflag:s8] =	ssyncadd.s32 $0xFFFE7000  }
0x10: {  	[hbm4b:s9+s2] =	stream.linear.scatter [tilespmem:s7], [sflag:$0x2], $0x19000, $0x38;
	[tilespmem:$0x19380] =	vst v63  }
0x11: {  	s11 =	sadd.s32 $0x320, s16;
	_ =	swait.ge [sflag:s3], $0x19000  }
0x12: {  	s28 =	sshrl.u32 s11, $0x3;
	[sflag:s3] =	ssyncset.done $0x0  }
0x13: {  	s10 =	sadd.s32 s14, s28;
	[sflag:s3] =	ssyncadd.s32 $0xFFFE7000  }
0x14: {  	[tilespmem:s2], [sflag:$0x2] =	stream.linear.gather [hbm4b:s10+s2], $0x320, $0x38;
	[tilespmem:$0x19380] =	vst v63  }
0x15: {  	_ =	swait.ge [sflag:s3], $0x320  }
0x16: {  	[sflag:s3] =	ssyncset.done $0x0  }
0x17: {  	[sflag:s3] =	ssyncadd.s32 $0xFFFFFCE0  }
0x18: {  	[tilespmem:s7], [sflag:$0x1] =	stream.indirect.gather [hbm4b:s5+s6], $0x80, s2, s6, $0xb8;
	[tilespmem:$0x19380] =	vst v63  }
0x19: {  	_ =	swait.ge [sflag:s8], $0x19000  }
0x1a: {  	s11 =	sshll.u32 s11, $0x4;
	[sflag:s8] =	ssyncset.done $0x0  }
0x1b: {  	s11 =	sadd.s32 s17, s11;
	[sflag:s8] =	ssyncadd.s32 $0xFFFE7000  }
0x1c: {  	[hbm4b:s11+s2] =	stream.linear.scatter [tilespmem:s7], [sflag:$0x2], $0x19000, $0x38;
	[tilespmem:$0x19380] =	vst v63  }
0x1d: {  	s13 =	sadd.s32 $0x640, s16;
	_ =	swait.ge [sflag:s3], $0x19000  }
0x1e: {  	s12 =	sshrl.u32 s13, $0x3;
	[sflag:s3] =	ssyncset.done $0x0  }
0x1f: {  	s12 =	sadd.s32 s14, s12;
	[sflag:s3] =	ssyncadd.s32 $0xFFFE7000  }
0x20: {  	[tilespmem:s2], [sflag:$0x2] =	stream.linear.gather [hbm4b:s12+s2], $0x320, $0x38;
	[tilespmem:$0x19380] =	vst v63  }
0x21: {  	_ =	swait.ge [sflag:s3], $0x320  }
0x22: {  	[sflag:s3] =	ssyncset.done $0x0  }
0x23: {  	[sflag:s3] =	ssyncadd.s32 $0xFFFFFCE0  }
0x24: {  	[tilespmem:s7], [sflag:$0x1] =	stream.indirect.gather [hbm4b:s5+s6], $0x80, s2, s6, $0xb8;
	[tilespmem:$0x19380] =	vst v63  }
0x25: {  	_ =	swait.ge [sflag:s8], $0x19000  }
0x26: {  	s13 =	sshll.u32 s13, $0x4;
	[sflag:s8] =	ssyncset.done $0x0  }
0x27: {  	s13 =	sadd.s32 s17, s13;
	[sflag:s8] =	ssyncadd.s32 $0xFFFE7000  }
0x28: {  	[hbm4b:s13+s2] =	stream.linear.scatter [tilespmem:s7], [sflag:$0x2], $0x19000, $0x38;
	[tilespmem:$0x19380] =	vst v63  }
0x29: {  	s16 =	sadd.s32 $0x960, s16;
	_ =	swait.ge [sflag:s3], $0x19000  }
0x2a: {  	s18 =	sshrl.u32 s16, $0x3;
	[sflag:s3] =	ssyncset.done $0x0  }
0x2b: {  	s15 =	ssub.s32 $0x2, s15;
	s14 =	sadd.s32 s14, s18;
	[sflag:s3] =	ssyncadd.s32 $0xFFFE7000  }
0x2c: {  	[tilespmem:s2], [sflag:$0x2] =	stream.linear.gather [hbm4b:s14+s2], $0x320, $0x38;
	[tilespmem:$0x19380] =	vst v63  }
0x2d: {  	s29 =	sshrl.u32 s15, $0x1;
	_ =	swait.ge [sflag:s3], $0x320  }
0x2e: {  	s18 =	ssub.s32 s15, s29;
	[sflag:s3] =	ssyncset.done $0x0  }
0x2f: {  	s31 =	smax.u32 s18, $0x1;
	[sflag:s3] =	ssyncadd.s32 $0xFFFFFCE0  }
0x30: {  	[tilespmem:s7], [sflag:$0x1] =	stream.indirect.gather [hbm4b:s5+s6], $0x80, s2, s6, $0xb8;
	[tilespmem:$0x19380] =	vst v63  }
0x31: {  	p0 =	sne.s32 s31, $0x1;
	_ =	swait.ge [sflag:s8], $0x19000  }
.Ltmp0:
0x32: {  	s30 =	sshll.u32 s16, $0x4;
	[sflag:s8] =	ssyncset.done $0x0;
	(pc) =	sbr.rel @!p0 .LBB2_2-.Ltmp0, $4  }
0x33: {  	s15 =	sadd.s32 s17, s30;
	[sflag:s8] =	ssyncadd.s32 $0xFFFE7000  }
0x34: {  	[hbm4b:s15+s2] =	stream.linear.scatter [tilespmem:s7], [sflag:$0x2], $0x19000, $0x38;
	[tilespmem:$0x19380] =	vst v63  }
0x35: {  	_ =	swait.ge [sflag:s3], $0x19000  }
0x36: {  	s16 =	sadd.s32 $0xFFFFFFFF, s31;
	[sflag:s3] =	ssyncset.done $0x0  }
.LBB2_1:
0x37: {  	p0 =	sne.s32 s16, $0x1;
	s16 =	sadd.s32 $0xFFFFFFFF, s16;
	[sflag:s3] =	ssyncadd.s32 $0xFFFE7000  }
0x38: {  	[tilespmem:s2], [sflag:$0x2] =	stream.linear.gather [hbm4b:s4+s2], $0x320, $0x38;
	[tilespmem:$0x19380] =	vst v63  }
0x39: {  	_ =	swait.ge [sflag:s3], $0x320  }
0x3a: {  	[sflag:s3] =	ssyncset.done $0x0  }
0x3b: {  	[sflag:s3] =	ssyncadd.s32 $0xFFFFFCE0  }
0x3c: {  	[tilespmem:s7], [sflag:$0x1] =	stream.indirect.gather [hbm4b:s5+s6], $0x80, s2, s6, $0xb8;
	[tilespmem:$0x19380] =	vst v63  }
0x3d: {  	_ =	swait.ge [sflag:s8], $0x19000  }
0x3e: {  	[sflag:s8] =	ssyncset.done $0x0  }
0x3f: {  	[sflag:s8] =	ssyncadd.s32 $0xFFFE7000  }
0x40: {  	[hbm4b:s9+s2] =	stream.linear.scatter [tilespmem:s7], [sflag:$0x2], $0x19000, $0x38;
	[tilespmem:$0x19380] =	vst v63  }
0x41: {  	_ =	swait.ge [sflag:s3], $0x19000  }
0x42: {  	[sflag:s3] =	ssyncset.done $0x0  }
0x43: {  	[sflag:s3] =	ssyncadd.s32 $0xFFFE7000  }
0x44: {  	[tilespmem:s2], [sflag:$0x2] =	stream.linear.gather [hbm4b:s10+s2], $0x320, $0x38;
	[tilespmem:$0x19380] =	vst v63  }
0x45: {  	_ =	swait.ge [sflag:s3], $0x320  }
0x46: {  	[sflag:s3] =	ssyncset.done $0x0  }
0x47: {  	[sflag:s3] =	ssyncadd.s32 $0xFFFFFCE0  }
0x48: {  	[tilespmem:s7], [sflag:$0x1] =	stream.indirect.gather [hbm4b:s5+s6], $0x80, s2, s6, $0xb8;
	[tilespmem:$0x19380] =	vst v63  }
0x49: {  	_ =	swait.ge [sflag:s8], $0x19000  }
0x4a: {  	[sflag:s8] =	ssyncset.done $0x0  }
0x4b: {  	[sflag:s8] =	ssyncadd.s32 $0xFFFE7000  }
0x4c: {  	[hbm4b:s11+s2] =	stream.linear.scatter [tilespmem:s7], [sflag:$0x2], $0x19000, $0x38;
	[tilespmem:$0x19380] =	vst v63  }
0x4d: {  	_ =	swait.ge [sflag:s3], $0x19000  }
0x4e: {  	[sflag:s3] =	ssyncset.done $0x0  }
0x4f: {  	[sflag:s3] =	ssyncadd.s32 $0xFFFE7000  }
0x50: {  	[tilespmem:s2], [sflag:$0x2] =	stream.linear.gather [hbm4b:s12+s2], $0x320, $0x38;
	[tilespmem:$0x19380] =	vst v63  }
0x51: {  	_ =	swait.ge [sflag:s3], $0x320  }
0x52: {  	[sflag:s3] =	ssyncset.done $0x0  }
0x53: {  	[sflag:s3] =	ssyncadd.s32 $0xFFFFFCE0  }
0x54: {  	[tilespmem:s7], [sflag:$0x1] =	stream.indirect.gather [hbm4b:s5+s6], $0x80, s2, s6, $0xb8;
	[tilespmem:$0x19380] =	vst v63  }
0x55: {  	_ =	swait.ge [sflag:s8], $0x19000  }
0x56: {  	[sflag:s8] =	ssyncset.done $0x0  }
0x57: {  	[sflag:s8] =	ssyncadd.s32 $0xFFFE7000  }
0x58: {  	[hbm4b:s13+s2] =	stream.linear.scatter [tilespmem:s7], [sflag:$0x2], $0x19000, $0x38;
	[tilespmem:$0x19380] =	vst v63  }
0x59: {  	_ =	swait.ge [sflag:s3], $0x19000  }
0x5a: {  	[sflag:s3] =	ssyncset.done $0x0  }
0x5b: {  	[sflag:s3] =	ssyncadd.s32 $0xFFFE7000  }
0x5c: {  	[tilespmem:s2], [sflag:$0x2] =	stream.linear.gather [hbm4b:s14+s2], $0x320, $0x38;
	[tilespmem:$0x19380] =	vst v63  }
0x5d: {  	_ =	swait.ge [sflag:s3], $0x320  }
0x5e: {  	[sflag:s3] =	ssyncset.done $0x0  }
0x5f: {  	[sflag:s3] =	ssyncadd.s32 $0xFFFFFCE0  }
0x60: {  	[tilespmem:s7], [sflag:$0x1] =	stream.indirect.gather [hbm4b:s5+s6], $0x80, s2, s6, $0xb8;
	[tilespmem:$0x19380] =	vst v63  }
0x61: {  	_ =	swait.ge [sflag:s8], $0x19000  }
.Ltmp1:
0x62: {  	[sflag:s8] =	ssyncset.done $0x0;
	(pc) =	sbr.rel @p0 .LBB2_1-.Ltmp1, $4  }
0x63: {  	[sflag:s8] =	ssyncadd.s32 $0xFFFE7000  }
0x64: {  	[hbm4b:s15+s2] =	stream.linear.scatter [tilespmem:s7], [sflag:$0x2], $0x19000, $0x38;
	[tilespmem:$0x19380] =	vst v63  }
0x65: {  	_ =	swait.ge [sflag:s3], $0x19000  }
0x66: {  	[sflag:s3] =	ssyncset.done $0x0  }
.LBB2_2:
0x67: {  	[sflag:s3] =	ssyncadd.s32 $0xFFFE7000  }
0x68: {  	_ =	sfence.sel $0x180000  }
0x69: {  	[bflag:$0x0] =	sbarrier.arrive $0xFFFF  }
0x6a: {  	p0 =	sne.s32 s0, $0x0;
	_ =	strace $0x90000047  }
0x6b: {  	s0 =	sadd.s32 @!p0 $0x100000, s1;
	[bflag:$0x2] =	sbarrier.arrive $0xFFFF  }
0x6c: {  	[sflag:s0] =	ssyncadd.tile.s32 @!p0 $0x1;
	_ =	shalt  }
.Lfunc_end2:
_tile_overlayer_lowered:
.L_overlay_start_2:
0x6d: {  	(tag) =	ssettag $0x2  }
0x6e: {  	s0 =	rddreg [dreg:$0x0];
	s2 =	stileid.u32  }
0x6f: {  	s1 =	rddreg [dreg:$0x1];
	p0 =	sne.s32 s2, $0x0  }
0x70: {  	s3 =	rddreg [dreg:$0x2];
	[bflag:$0x3] =	sbarrier.arrive $0xFFFF;
	s2 =	simm.s32 @!p0 $0x1C02  }
0x71: {  	[timem:s3], [sflag:s2] =	dma.local @!p0 [hbm:s0], s1  }
0x72: {  	s0 =	simm.s32 @!p0 $0x2  }
0x73: {  	_ =	swait.ge @!p0 [sflag:s0], s1  }
0x74: {  	s1 =	ssub.s32 @!p0 $0x0, s1;
	[sflag:s0] =	ssyncset.done @!p0 $0x0  }
0x75: {  	[sflag:s0] =	ssyncadd.s32 @!p0 s1  }
0x76: {  	[bflag:$0x3] =	sbarrier.arrive $0xFFFF  }
0x77: {  	_ =	shalt  }

</sc_bundles>
